<compile_context>
chip_gen: v7x
topology: tpu7x:2x2x1
jax: 0.10.2.dev20260603
libtpu: 0.0.44.dev20260713+nightly
codegen_flags: <defaults>
</compile_context>

<pallas_src>
import functools

import numpy as np
import jax
import jax.numpy as jnp
from jax import lax
from jax.experimental import pallas as pl
from jax.experimental.pallas import tpu as pltpu
from jax.experimental.pallas import tpu_sc as plsc

_B, _S, _W, _D = 8, 16, 32, 64
_ND = _S * _W
_NV = 4096
_NODE = 32
_VT = 4096
_CH = 512
_NVT = _NV // _VT
_EDGES = [float(x) for x in np.linspace(-0.5, 0.99, 15)]


_NW = 32
_RPW = (_B * _ND) // _NW
_VOCAB = 100001
_SPLIT = 51200


def _repack_table(table_t):
  def body(a_ref, b_ref, out_ref):
    out_ref[:, 0:_D] = jnp.transpose(a_ref[...])
    out_ref[:, _D:128] = jnp.transpose(b_ref[...])

  nblk = _SPLIT // 2048
  lastb = (_VOCAB + 2047) // 2048 - 1
  return pl.pallas_call(
      body,
      grid=(nblk,),
      in_specs=[
          pl.BlockSpec((_D, 2048), lambda c: (0, c)),
          pl.BlockSpec((_D, 2048), lambda c: (0, jnp.minimum(c + nblk, lastb))),
      ],
      out_specs=pl.BlockSpec((2048, 128), lambda c: (c, 0)),
      out_shape=jax.ShapeDtypeStruct((_SPLIT, 128), jnp.float32),
  )(table_t, table_t)


def _sc_gather(table, idx):
  mesh = plsc.VectorSubcoreMesh(core_axis_name="c", subcore_axis_name="s")

  @functools.partial(
      pl.kernel,
      mesh=mesh,
      compiler_params=pltpu.CompilerParams(use_tc_tiling_on_sc=False),
      out_type=jax.ShapeDtypeStruct((_B * _ND, 128), jnp.float32),
      scratch_types=[
          pltpu.VMEM((_RPW,), jnp.int32),
          pltpu.VMEM((_RPW,), jnp.int32),
          pltpu.VMEM((_RPW, _D), jnp.float32),
          pltpu.SemaphoreType.DMA,
      ],
  )
  def gather_kernel(table_hbm, idx_hbm, out_hbm, idx_v, idx2_v, rows_v, sem):
    wid = lax.axis_index("s") * 2 + lax.axis_index("c")
    base = wid * _RPW
    copies = [pltpu.async_copy(idx_hbm.at[wid * 4 + i, pl.ds(0, _W)],
                               idx_v.at[pl.ds(i * _W, _W)], sem)
              for i in range(4)]
    for c in copies:
      c.wait()
    for i in range(_RPW // 16):
      v = idx_v[pl.ds(i * 16, 16)]
      idx2_v[pl.ds(i * 16, 16)] = v + v + jnp.where(
          v < _SPLIT, 0, 1 - 2 * _SPLIT)
    pltpu.async_copy(table_hbm.at[idx2_v], rows_v, sem).wait()
    pltpu.sync_copy(rows_v, out_hbm.at[pl.ds(base, _RPW), pl.ds(0, _D)])

  return gather_kernel(table, idx)




def _tc_body(demb_ref, vvt_ref, imp_ref, phi_ref, ww_ref, ws_ref,
             diff_ref, start_ref, final_ref, attn_ref, attn_scr):
  vt = pl.program_id(1)

  @pl.when(vt == 0)
  def _():
    demb = demb_ref[:, :_D]
    wl = jnp.sum(demb * ww_ref[...], axis=1, keepdims=True)
    wl3 = wl.reshape(_S, _W, 1)
    wmax = jnp.max(wl3, axis=1, keepdims=True)
    we = jnp.exp(wl3 - wmax)
    wa = we / jnp.sum(we, axis=1, keepdims=True)
    sl = jnp.sum(imp_ref[...] * ws_ref[...], axis=1, keepdims=True)
    smax = jnp.max(sl, axis=0, keepdims=True)
    se = jnp.exp(sl - smax)
    sa = se / jnp.sum(se, axis=0, keepdims=True)
    attn = (wa * sa.reshape(_S, 1, 1)).reshape(_ND, 1)
    attn_scr[...] = attn
    attn_ref[...] = attn

  bw = [start_ref[0] + jnp.maximum(diff_ref[0], 0.0)]
  for k in range(1, 16):
    bw.append(bw[-1] + jnp.maximum(diff_ref[k], 0.0))
  attn = attn_scr[...]
  part = None
  for c in range(_VT // _CH):
    sim = jnp.dot(demb_ref[:, :_D], vvt_ref[:, c * _CH:(c + 1) * _CH],
                  preferred_element_type=jnp.float32)
    b3 = sim >= _EDGES[7]
    b2 = sim >= jnp.where(b3, _EDGES[11], _EDGES[3])
    e1 = jnp.where(b3, jnp.where(b2, _EDGES[13], _EDGES[9]),
                   jnp.where(b2, _EDGES[5], _EDGES[1]))
    b1 = sim >= e1
    e0hi = jnp.where(b3, jnp.where(b2, _EDGES[14], _EDGES[10]),
                     jnp.where(b2, _EDGES[6], _EDGES[2]))
    e0lo = jnp.where(b3, jnp.where(b2, _EDGES[12], _EDGES[8]),
                     jnp.where(b2, _EDGES[4], _EDGES[0]))
    b0 = sim >= jnp.where(b1, e0hi, e0lo)
    t = [jnp.where(b0, bw[2 * i + 1], bw[2 * i]) for i in range(8)]
    u = [jnp.where(b1, t[2 * j + 1], t[2 * j]) for j in range(4)]
    p = [jnp.where(b2, u[1], u[0]), jnp.where(b2, u[3], u[2])]
    w = jnp.where(b3, p[1], p[0])
    weighted = lax.dot_general(attn, w,
                               (((0,), (0,)), ((), ())),
                               preferred_element_type=jnp.float32)
    pc = lax.dot_general(weighted, phi_ref[:, c * _CH:(c + 1) * _CH],
                         (((1,), (1,)), ((), ())),
                         preferred_element_type=jnp.float32)
    part = pc if part is None else part + pc

  @pl.when(vt == 0)
  def _():
    final_ref[...] = part

  @pl.when(vt != 0)
  def _():
    final_ref[...] = final_ref[...] + part


def _tc_call(demb3, VvT, imp, phi, ww2, ws2, diff, start):
  return pl.pallas_call(
      _tc_body,
      grid=(_B, _NVT),
      in_specs=[
          pl.BlockSpec((_ND, 128), lambda b, v: (b, 0)),
          pl.BlockSpec((_D, _VT), lambda b, v: (0, v)),
          pl.BlockSpec((None, _S, _D), lambda b, v: (b, 0, 0)),
          pl.BlockSpec((_NODE, _VT), lambda b, v: (0, v)),
          pl.BlockSpec((1, _D), lambda b, v: (0, 0)),
          pl.BlockSpec((1, _D), lambda b, v: (0, 0)),
          pl.BlockSpec(memory_space=pltpu.SMEM),
          pl.BlockSpec(memory_space=pltpu.SMEM),
      ],
      out_specs=[
          pl.BlockSpec((None, 1, _NODE), lambda b, v: (b, 0, 0)),
          pl.BlockSpec((None, _ND, 1), lambda b, v: (b, 0, 0)),
      ],
      out_shape=[
          jax.ShapeDtypeStruct((_B, 1, _NODE), jnp.float32),
          jax.ShapeDtypeStruct((_B, _ND, 1), jnp.float32),
      ],
      scratch_shapes=[pltpu.VMEM((_ND, 1), jnp.float32)],
      compiler_params=pltpu.CompilerParams(
          dimension_semantics=("parallel", "arbitrary")),
  )(demb3, VvT, imp, phi, ww2, ws2, diff, start)


def kernel(input_ids, ImportanceFeatureMat, labels, embedding_table, VvT,
           phi_vs, bin_weight_difference, bin_weight_difference_start,
           w_word, w_sent):
  ids = jnp.pad(input_ids.astype(jnp.int32),
                ((0, 0), (0, 0), (0, 128 - _W))).reshape(_B * _S, 128)
  tbl = _repack_table(embedding_table.T).reshape(2 * _SPLIT, _D)
  demb = _sc_gather(tbl, ids)
  final, attn = _tc_call(
      demb, VvT, ImportanceFeatureMat, phi_vs,
      w_word.reshape(1, _D), w_sent.reshape(1, _D),
      bin_weight_difference, bin_weight_difference_start)
  return final.reshape(_B, _NODE), attn.reshape(_B, _ND)

# --- scband reference (transcript-rebuilt; emitter-appended) ---
"""Pipeline reference for scband-hier-att-net-40475771798139 (READ-ONLY COPY).

The authoritative reference and input builder live on the scoring server;
editing this copy changes nothing except your own understanding.
"""

import jax, jax.numpy as jnp
import numpy as np

B, S, W = 8, 16, 32
D = 64
MAX_VOCAB = 100000
NV = 4096
NODE_NUM = 32
FEAT = 64
BIN_START = -0.5
BIN_MIDPOINT = np.linspace(BIN_START, 0.99, 15)


def _bins_weight_init():
    mid = BIN_MIDPOINT.tolist()
    bw = [BIN_START]
    for i in range(len(mid) - 1):
        bw.append((mid[i] + mid[i + 1]) / 2.0)
    bw.append(1.0)
    diff = np.diff(bw).tolist()
    diff.insert(0, 0.0)
    return np.array(diff, dtype=np.float32), np.array([bw[0]], dtype=np.float32)


def setup_inputs(seed: int = 0):
    key = jax.random.key(seed)
    ks = jax.random.split(key, 8)
    input_ids = jax.random.randint(ks[0], (B, S, W), 0, MAX_VOCAB + 1)
    imp = jax.random.normal(ks[1], (B, S, FEAT), dtype=jnp.float32)
    labels = jax.random.randint(ks[2], (B,), 0, NODE_NUM)
    emb = jax.random.normal(ks[3], (MAX_VOCAB + 1, D), dtype=jnp.float32) * 0.05
    VvT = jax.random.normal(ks[4], (D, NV), dtype=jnp.float32) * 0.05
    phi = jax.random.uniform(ks[5], (NODE_NUM, NV), dtype=jnp.float32)
    diff, start = _bins_weight_init()
    w_word = jax.random.normal(ks[6], (D,), dtype=jnp.float32) * 0.1
    w_sent = jax.random.normal(ks[7], (FEAT,), dtype=jnp.float32) * 0.1
    return {
        'input_ids': input_ids,
        'ImportanceFeatureMat': imp,
        'labels': labels,
        'embedding_table': emb,
        'VvT': VvT,
        'phi_vs': phi,
        'bin_weight_difference': jnp.asarray(diff),
        'bin_weight_difference_start': jnp.asarray(start),
        'w_word': w_word,
        'w_sent': w_sent,
    }


def _forward(input_ids, imp, emb, VvT, phi, bwd_diff, bwd_start, w_word, w_sent):
    batch = input_ids.shape[0]
    # surrogate word/sent attention nets (original WordAttNet/SentAttNet not defined in snippet)
    word_emb = jnp.take(emb, input_ids, axis=0)            # [B,S,W,D] gather
    word_logits = jnp.einsum('bswd,d->bsw', word_emb, w_word)
    word_attn = jax.nn.softmax(word_logits, axis=-1)       # [B,S,W]
    sent_logits = jnp.einsum('bsf,f->bs', imp, w_sent)
    sent_attn = jax.nn.softmax(sent_logits, axis=-1)       # [B,S]
    # attn_score = word_attn * sent_attn broadcast, flattened per doc (matches permute-mult-permute)
    attn_score = (sent_attn[:, :, None] * word_attn).reshape(batch, -1)  # [B, S*W]
    doc_index = input_ids.reshape(batch, -1)               # [B, Nd]
    # compute_score: learned bin weights via cumsum of relu'd differences
    bin_w = bwd_start + jnp.cumsum(jax.nn.relu(bwd_diff))  # [16]
    doc_emb = jnp.take(emb, doc_index, axis=0)             # [B,Nd,D] gather
    sim = jnp.einsum('btd,dv->btv', doc_emb, VvT)          # [B,Nd,Nv]
    edges = jnp.asarray(BIN_MIDPOINT, dtype=sim.dtype)
    # np.digitize(x, bins) == searchsorted(bins, x, side='right')
    dig = jnp.searchsorted(edges, sim, side='right')       # int in [0,15]
    w_sim = jnp.take(bin_w, dig)                           # histogram-weight gather [B,Nd,Nv]
    # score[i,j] = sum_b bin_w[b] * sum_{t,v} attn[i,t]*phi[j,v]*onehot(dig)[t,v,b]
    #           == sum_{t,v} attn[i,t]*phi[j,v]*bin_w[dig[i,t,v]]
    final_score = jnp.einsum('bt,btv,jv->bj', attn_score, w_sim, phi)  # [B, node_num]
    return final_score, attn_score


def reference(input_ids, ImportanceFeatureMat, labels, embedding_table, VvT, phi_vs, bin_weight_difference, bin_weight_difference_start, w_word, w_sent):
    return _forward(input_ids, ImportanceFeatureMat, embedding_table, VvT, phi_vs, bin_weight_difference, bin_weight_difference_start, w_word, w_sent)

if __name__ == "__main__":
    import jax
    _d = setup_inputs()
    print(jax.jit(kernel)(*tuple(_d.values())))

</pallas_src>

<mosaic_0001>
#map = affine_map<(d0, d1) -> (0, 0)>
module attributes {stable_mosaic.version = 14 : i64} {
  func.func @gather_kernel(%arg0: i32, %arg1: i32, %arg2: memref<102400x64xf32, #tpu.memory_space<hbm>>, %arg3: memref<128x128xi32, #tpu.memory_space<hbm>>, %arg4: memref<4096x128xf32, #tpu.memory_space<hbm>>, %arg5: memref<128xi32, #tpu.memory_space<vmem>>, %arg6: memref<128xi32, #tpu.memory_space<vmem>>, %arg7: memref<128x64xf32, #tpu.memory_space<vmem>>, %arg8: memref<!tpu.dma_semaphore, #tpu.memory_space<semaphore_mem>>) attributes {dimension_semantics = [#tpu.dimension_semantics<core_parallel>, #tpu.dimension_semantics<subcore_parallel>], iteration_bounds = array<i64: 2, 16>, scalar_prefetch = 0 : i64, scratch_operands = 4 : i64, tpu.core_type = #tpu.core_type<sc_vector_subcore>, window_params = [{transform_indices = #map}, {transform_indices = #map}, {transform_indices = #map}]} {
    %mul3A = arith.constant 2 : i32
    %mul3A_0 = arith.muli %arg1, %mul3A : i32
    %add3A = arith.addi %mul3A_0, %arg0 : i32
    %mul3A_1 = arith.constant 128 : i32
    %mul3A_2 = arith.muli %add3A, %mul3A_1 : i32
    %mul3A_3 = arith.constant 4 : i32
    %mul3A_4 = arith.muli %add3A, %mul3A_3 : i32
    %add3A_5 = arith.constant 0 : i32
    %add3A_6 = arith.addi %mul3A_4, %add3A_5 : i32
    %dma_start3A = arith.constant 0 : i32
    %dma_start3A_7 = tpu.memref_slice %arg5[%dma_start3A] : memref<128xi32, #tpu.memory_space<vmem>> -> memref<32xi32, #tpu.memory_space<vmem>>
    %dma_start3A_8 = arith.constant 0 : i32
    %dma_start3A_9 = tpu.memref_slice %arg3[%add3A_6, %dma_start3A_8] : memref<128x128xi32, #tpu.memory_space<hbm>> -> memref<1x32xi32, #tpu.memory_space<hbm>>
    %dma_start3A_10 = tpu.memref_squeeze %dma_start3A_9 : memref<1x32xi32, #tpu.memory_space<hbm>> -> memref<32xi32, #tpu.memory_space<hbm>>
    %dma_start3A_11 = arith.constant 0 : i32
    %dma_start3A_12 = tpu.memref_slice %arg5[%dma_start3A_11] : memref<128xi32, #tpu.memory_space<vmem>> -> memref<32xi32, #tpu.memory_space<vmem>>
    %dma_start3A_13 = arith.constant 0 : i32
    %dma_start3A_14 = tpu.memref_slice %arg3[%add3A_6, %dma_start3A_13] : memref<128x128xi32, #tpu.memory_space<hbm>> -> memref<1x32xi32, #tpu.memory_space<hbm>>
    %dma_start3A_15 = tpu.memref_squeeze %dma_start3A_14 : memref<1x32xi32, #tpu.memory_space<hbm>> -> memref<32xi32, #tpu.memory_space<hbm>>
    tpu.enqueue_dma source(%dma_start3A_15 : memref<32xi32, #tpu.memory_space<hbm>>) target(%dma_start3A_12 : memref<32xi32, #tpu.memory_space<vmem>>) target_semaphore(%arg8 : memref<!tpu.dma_semaphore, #tpu.memory_space<semaphore_mem>>)
    %mul3A_16 = arith.constant 4 : i32
    %mul3A_17 = arith.muli %add3A, %mul3A_16 : i32
    %add3A_18 = arith.constant 1 : i32
    %add3A_19 = arith.addi %mul3A_17, %add3A_18 : i32
    %dma_start3A_20 = arith.constant 32 : i32
    %dma_start3A_21 = tpu.memref_slice %arg5[%dma_start3A_20] : memref<128xi32, #tpu.memory_space<vmem>> -> memref<32xi32, #tpu.memory_space<vmem>>
    %dma_start3A_22 = arith.constant 0 : i32
    %dma_start3A_23 = tpu.memref_slice %arg3[%add3A_19, %dma_start3A_22] : memref<128x128xi32, #tpu.memory_space<hbm>> -> memref<1x32xi32, #tpu.memory_space<hbm>>
    %dma_start3A_24 = tpu.memref_squeeze %dma_start3A_23 : memref<1x32xi32, #tpu.memory_space<hbm>> -> memref<32xi32, #tpu.memory_space<hbm>>
    %dma_start3A_25 = arith.constant 32 : i32
    %dma_start3A_26 = tpu.memref_slice %arg5[%dma_start3A_25] : memref<128xi32, #tpu.memory_space<vmem>> -> memref<32xi32, #tpu.memory_space<vmem>>
    %dma_start3A_27 = arith.constant 0 : i32
    %dma_start3A_28 = tpu.memref_slice %arg3[%add3A_19, %dma_start3A_27] : memref<128x128xi32, #tpu.memory_space<hbm>> -> memref<1x32xi32, #tpu.memory_space<hbm>>
    %dma_start3A_29 = tpu.memref_squeeze %dma_start3A_28 : memref<1x32xi32, #tpu.memory_space<hbm>> -> memref<32xi32, #tpu.memory_space<hbm>>
    tpu.enqueue_dma source(%dma_start3A_29 : memref<32xi32, #tpu.memory_space<hbm>>) target(%dma_start3A_26 : memref<32xi32, #tpu.memory_space<vmem>>) target_semaphore(%arg8 : memref<!tpu.dma_semaphore, #tpu.memory_space<semaphore_mem>>)
    %mul3A_30 = arith.constant 4 : i32
    %mul3A_31 = arith.muli %add3A, %mul3A_30 : i32
    %add3A_32 = arith.constant 2 : i32
    %add3A_33 = arith.addi %mul3A_31, %add3A_32 : i32
    %dma_start3A_34 = arith.constant 64 : i32
    %dma_start3A_35 = tpu.memref_slice %arg5[%dma_start3A_34] : memref<128xi32, #tpu.memory_space<vmem>> -> memref<32xi32, #tpu.memory_space<vmem>>
    %dma_start3A_36 = arith.constant 0 : i32
    %dma_start3A_37 = tpu.memref_slice %arg3[%add3A_33, %dma_start3A_36] : memref<128x128xi32, #tpu.memory_space<hbm>> -> memref<1x32xi32, #tpu.memory_space<hbm>>
    %dma_start3A_38 = tpu.memref_squeeze %dma_start3A_37 : memref<1x32xi32, #tpu.memory_space<hbm>> -> memref<32xi32, #tpu.memory_space<hbm>>
    %dma_start3A_39 = arith.constant 64 : i32
    %dma_start3A_40 = tpu.memref_slice %arg5[%dma_start3A_39] : memref<128xi32, #tpu.memory_space<vmem>> -> memref<32xi32, #tpu.memory_space<vmem>>
    %dma_start3A_41 = arith.constant 0 : i32
    %dma_start3A_42 = tpu.memref_slice %arg3[%add3A_33, %dma_start3A_41] : memref<128x128xi32, #tpu.memory_space<hbm>> -> memref<1x32xi32, #tpu.memory_space<hbm>>
    %dma_start3A_43 = tpu.memref_squeeze %dma_start3A_42 : memref<1x32xi32, #tpu.memory_space<hbm>> -> memref<32xi32, #tpu.memory_space<hbm>>
    tpu.enqueue_dma source(%dma_start3A_43 : memref<32xi32, #tpu.memory_space<hbm>>) target(%dma_start3A_40 : memref<32xi32, #tpu.memory_space<vmem>>) target_semaphore(%arg8 : memref<!tpu.dma_semaphore, #tpu.memory_space<semaphore_mem>>)
    %mul3A_44 = arith.constant 4 : i32
    %mul3A_45 = arith.muli %add3A, %mul3A_44 : i32
    %add3A_46 = arith.constant 3 : i32
    %add3A_47 = arith.addi %mul3A_45, %add3A_46 : i32
    %dma_start3A_48 = arith.constant 96 : i32
    %dma_start3A_49 = tpu.memref_slice %arg5[%dma_start3A_48] : memref<128xi32, #tpu.memory_space<vmem>> -> memref<32xi32, #tpu.memory_space<vmem>>
    %dma_start3A_50 = arith.constant 0 : i32
    %dma_start3A_51 = tpu.memref_slice %arg3[%add3A_47, %dma_start3A_50] : memref<128x128xi32, #tpu.memory_space<hbm>> -> memref<1x32xi32, #tpu.memory_space<hbm>>
    %dma_start3A_52 = tpu.memref_squeeze %dma_start3A_51 : memref<1x32xi32, #tpu.memory_space<hbm>> -> memref<32xi32, #tpu.memory_space<hbm>>
    %dma_start3A_53 = arith.constant 96 : i32
    %dma_start3A_54 = tpu.memref_slice %arg5[%dma_start3A_53] : memref<128xi32, #tpu.memory_space<vmem>> -> memref<32xi32, #tpu.memory_space<vmem>>
    %dma_start3A_55 = arith.constant 0 : i32
    %dma_start3A_56 = tpu.memref_slice %arg3[%add3A_47, %dma_start3A_55] : memref<128x128xi32, #tpu.memory_space<hbm>> -> memref<1x32xi32, #tpu.memory_space<hbm>>
    %dma_start3A_57 = tpu.memref_squeeze %dma_start3A_56 : memref<1x32xi32, #tpu.memory_space<hbm>> -> memref<32xi32, #tpu.memory_space<hbm>>
    tpu.enqueue_dma source(%dma_start3A_57 : memref<32xi32, #tpu.memory_space<hbm>>) target(%dma_start3A_54 : memref<32xi32, #tpu.memory_space<vmem>>) target_semaphore(%arg8 : memref<!tpu.dma_semaphore, #tpu.memory_space<semaphore_mem>>)
    %dma_wait3A = arith.constant 0 : i32
    %dma_wait3A_58 = tpu.memref_slice %arg5[%dma_wait3A] : memref<128xi32, #tpu.memory_space<vmem>> -> memref<32xi32, #tpu.memory_space<vmem>>
    %dma_wait3A_59 = arith.constant 0 : i32
    %dma_wait3A_60 = tpu.memref_slice %arg3[%add3A_6, %dma_wait3A_59] : memref<128x128xi32, #tpu.memory_space<hbm>> -> memref<1x32xi32, #tpu.memory_space<hbm>>
    %dma_wait3A_61 = tpu.memref_squeeze %dma_wait3A_60 : memref<1x32xi32, #tpu.memory_space<hbm>> -> memref<32xi32, #tpu.memory_space<hbm>>
    %dma_wait3A_62 = arith.constant 0 : i32
    %dma_wait3A_63 = tpu.memref_slice %arg5[%dma_wait3A_62] : memref<128xi32, #tpu.memory_space<vmem>> -> memref<32xi32, #tpu.memory_space<vmem>>
    %dma_wait3A_64 = arith.constant 0 : i32
    %dma_wait3A_65 = tpu.memref_slice %arg3[%add3A_6, %dma_wait3A_64] : memref<128x128xi32, #tpu.memory_space<hbm>> -> memref<1x32xi32, #tpu.memory_space<hbm>>
    %dma_wait3A_66 = tpu.memref_squeeze %dma_wait3A_65 : memref<1x32xi32, #tpu.memory_space<hbm>> -> memref<32xi32, #tpu.memory_space<hbm>>
    tpu.wait_dma2 semaphore(%arg8 : memref<!tpu.dma_semaphore, #tpu.memory_space<semaphore_mem>>) src(%dma_wait3A_66 : memref<32xi32, #tpu.memory_space<hbm>>) dst(%dma_wait3A_63 : memref<32xi32, #tpu.memory_space<vmem>>)
    %dma_wait3A_67 = arith.constant 32 : i32
    %dma_wait3A_68 = tpu.memref_slice %arg5[%dma_wait3A_67] : memref<128xi32, #tpu.memory_space<vmem>> -> memref<32xi32, #tpu.memory_space<vmem>>
    %dma_wait3A_69 = arith.constant 0 : i32
    %dma_wait3A_70 = tpu.memref_slice %arg3[%add3A_19, %dma_wait3A_69] : memref<128x128xi32, #tpu.memory_space<hbm>> -> memref<1x32xi32, #tpu.memory_space<hbm>>
    %dma_wait3A_71 = tpu.memref_squeeze %dma_wait3A_70 : memref<1x32xi32, #tpu.memory_space<hbm>> -> memref<32xi32, #tpu.memory_space<hbm>>
    %dma_wait3A_72 = arith.constant 32 : i32
    %dma_wait3A_73 = tpu.memref_slice %arg5[%dma_wait3A_72] : memref<128xi32, #tpu.memory_space<vmem>> -> memref<32xi32, #tpu.memory_space<vmem>>
    %dma_wait3A_74 = arith.constant 0 : i32
    %dma_wait3A_75 = tpu.memref_slice %arg3[%add3A_19, %dma_wait3A_74] : memref<128x128xi32, #tpu.memory_space<hbm>> -> memref<1x32xi32, #tpu.memory_space<hbm>>
    %dma_wait3A_76 = tpu.memref_squeeze %dma_wait3A_75 : memref<1x32xi32, #tpu.memory_space<hbm>> -> memref<32xi32, #tpu.memory_space<hbm>>
    tpu.wait_dma2 semaphore(%arg8 : memref<!tpu.dma_semaphore, #tpu.memory_space<semaphore_mem>>) src(%dma_wait3A_76 : memref<32xi32, #tpu.memory_space<hbm>>) dst(%dma_wait3A_73 : memref<32xi32, #tpu.memory_space<vmem>>)
    %dma_wait3A_77 = arith.constant 64 : i32
    %dma_wait3A_78 = tpu.memref_slice %arg5[%dma_wait3A_77] : memref<128xi32, #tpu.memory_space<vmem>> -> memref<32xi32, #tpu.memory_space<vmem>>
    %dma_wait3A_79 = arith.constant 0 : i32
    %dma_wait3A_80 = tpu.memref_slice %arg3[%add3A_33, %dma_wait3A_79] : memref<128x128xi32, #tpu.memory_space<hbm>> -> memref<1x32xi32, #tpu.memory_space<hbm>>
    %dma_wait3A_81 = tpu.memref_squeeze %dma_wait3A_80 : memref<1x32xi32, #tpu.memory_space<hbm>> -> memref<32xi32, #tpu.memory_space<hbm>>
    %dma_wait3A_82 = arith.constant 64 : i32
    %dma_wait3A_83 = tpu.memref_slice %arg5[%dma_wait3A_82] : memref<128xi32, #tpu.memory_space<vmem>> -> memref<32xi32, #tpu.memory_space<vmem>>
    %dma_wait3A_84 = arith.constant 0 : i32
    %dma_wait3A_85 = tpu.memref_slice %arg3[%add3A_33, %dma_wait3A_84] : memref<128x128xi32, #tpu.memory_space<hbm>> -> memref<1x32xi32, #tpu.memory_space<hbm>>
    %dma_wait3A_86 = tpu.memref_squeeze %dma_wait3A_85 : memref<1x32xi32, #tpu.memory_space<hbm>> -> memref<32xi32, #tpu.memory_space<hbm>>
    tpu.wait_dma2 semaphore(%arg8 : memref<!tpu.dma_semaphore, #tpu.memory_space<semaphore_mem>>) src(%dma_wait3A_86 : memref<32xi32, #tpu.memory_space<hbm>>) dst(%dma_wait3A_83 : memref<32xi32, #tpu.memory_space<vmem>>)
    %dma_wait3A_87 = arith.constant 96 : i32
    %dma_wait3A_88 = tpu.memref_slice %arg5[%dma_wait3A_87] : memref<128xi32, #tpu.memory_space<vmem>> -> memref<32xi32, #tpu.memory_space<vmem>>
    %dma_wait3A_89 = arith.constant 0 : i32
    %dma_wait3A_90 = tpu.memref_slice %arg3[%add3A_47, %dma_wait3A_89] : memref<128x128xi32, #tpu.memory_space<hbm>> -> memref<1x32xi32, #tpu.memory_space<hbm>>
    %dma_wait3A_91 = tpu.memref_squeeze %dma_wait3A_90 : memref<1x32xi32, #tpu.memory_space<hbm>> -> memref<32xi32, #tpu.memory_space<hbm>>
    %dma_wait3A_92 = arith.constant 96 : i32
    %dma_wait3A_93 = tpu.memref_slice %arg5[%dma_wait3A_92] : memref<128xi32, #tpu.memory_space<vmem>> -> memref<32xi32, #tpu.memory_space<vmem>>
    %dma_wait3A_94 = arith.constant 0 : i32
    %dma_wait3A_95 = tpu.memref_slice %arg3[%add3A_47, %dma_wait3A_94] : memref<128x128xi32, #tpu.memory_space<hbm>> -> memref<1x32xi32, #tpu.memory_space<hbm>>
    %dma_wait3A_96 = tpu.memref_squeeze %dma_wait3A_95 : memref<1x32xi32, #tpu.memory_space<hbm>> -> memref<32xi32, #tpu.memory_space<hbm>>
    tpu.wait_dma2 semaphore(%arg8 : memref<!tpu.dma_semaphore, #tpu.memory_space<semaphore_mem>>) src(%dma_wait3A_96 : memref<32xi32, #tpu.memory_space<hbm>>) dst(%dma_wait3A_93 : memref<32xi32, #tpu.memory_space<vmem>>)
    %get3A = arith.constant 0 : index
    %get3A_97 = tpu.vector_load %arg5[%get3A] {strides = array<i32>} : memref<128xi32, #tpu.memory_space<vmem>>, vector<16xi32>,
    %get3A_98 = vector.shape_cast %get3A_97 : vector<16xi32> to vector<16xi32>
    %add3A_99 = arith.addi %get3A_98, %get3A_98 : vector<16xi32>
    %lt3A = arith.constant 51200 : i32
    %lt3A_100 = vector.broadcast %lt3A : i32 to vector<16xi32>
    %lt3A_101 = arith.cmpi slt, %get3A_98, %lt3A_100 : vector<16xi32>
    %jit3A = arith.constant 0 : i32
    %jit3A_102 = arith.constant -102399 : i32
    %broadcast_in_dim3A = vector.broadcast %jit3A : i32 to vector<16xi32>
    %broadcast_in_dim3A_103 = vector.broadcast %jit3A_102 : i32 to vector<16xi32>
    %select_n3A = arith.select %lt3A_101, %broadcast_in_dim3A, %broadcast_in_dim3A_103 : vector<16xi1>, vector<16xi32>
    %add3A_104 = arith.addi %add3A_99, %select_n3A : vector<16xi32>
    %swap3A = arith.constant 0 : index
    %swap3A_105 = tpu.vector_load %arg6[%swap3A] {strides = array<i32>} : memref<128xi32, #tpu.memory_space<vmem>>, vector<16xi32>,
    %swap3A_106 = vector.shape_cast %swap3A_105 : vector<16xi32> to vector<16xi32>
    %swap3A_107 = vector.shape_cast %add3A_104 : vector<16xi32> to vector<16xi32>
    tpu.vector_store %arg6[%swap3A], %swap3A_107 {strides = array<i32>} : memref<128xi32, #tpu.memory_space<vmem>>, vector<16xi32>,
    %get3A_108 = arith.constant 16 : index
    %get3A_109 = tpu.vector_load %arg5[%get3A_108] {strides = array<i32>} : memref<128xi32, #tpu.memory_space<vmem>>, vector<16xi32>,
    %get3A_110 = vector.shape_cast %get3A_109 : vector<16xi32> to vector<16xi32>
    %add3A_111 = arith.addi %get3A_110, %get3A_110 : vector<16xi32>
    %lt3A_112 = arith.constant 51200 : i32
    %lt3A_113 = vector.broadcast %lt3A_112 : i32 to vector<16xi32>
    %lt3A_114 = arith.cmpi slt, %get3A_110, %lt3A_113 : vector<16xi32>
    %jit3A_115 = arith.constant 0 : i32
    %jit3A_116 = arith.constant -102399 : i32
    %broadcast_in_dim3A_117 = vector.broadcast %jit3A_115 : i32 to vector<16xi32>
    %broadcast_in_dim3A_118 = vector.broadcast %jit3A_116 : i32 to vector<16xi32>
    %select_n3A_119 = arith.select %lt3A_114, %broadcast_in_dim3A_117, %broadcast_in_dim3A_118 : vector<16xi1>, vector<16xi32>
    %add3A_120 = arith.addi %add3A_111, %select_n3A_119 : vector<16xi32>
    %swap3A_121 = arith.constant 16 : index
    %swap3A_122 = tpu.vector_load %arg6[%swap3A_121] {strides = array<i32>} : memref<128xi32, #tpu.memory_space<vmem>>, vector<16xi32>,
    %swap3A_123 = vector.shape_cast %swap3A_122 : vector<16xi32> to vector<16xi32>
    %swap3A_124 = vector.shape_cast %add3A_120 : vector<16xi32> to vector<16xi32>
    tpu.vector_store %arg6[%swap3A_121], %swap3A_124 {strides = array<i32>} : memref<128xi32, #tpu.memory_space<vmem>>, vector<16xi32>,
    %get3A_125 = arith.constant 32 : index
    %get3A_126 = tpu.vector_load %arg5[%get3A_125] {strides = array<i32>} : memref<128xi32, #tpu.memory_space<vmem>>, vector<16xi32>,
    %get3A_127 = vector.shape_cast %get3A_126 : vector<16xi32> to vector<16xi32>
    %add3A_128 = arith.addi %get3A_127, %get3A_127 : vector<16xi32>
    %lt3A_129 = arith.constant 51200 : i32
    %lt3A_130 = vector.broadcast %lt3A_129 : i32 to vector<16xi32>
    %lt3A_131 = arith.cmpi slt, %get3A_127, %lt3A_130 : vector<16xi32>
    %jit3A_132 = arith.constant 0 : i32
    %jit3A_133 = arith.constant -102399 : i32
    %broadcast_in_dim3A_134 = vector.broadcast %jit3A_132 : i32 to vector<16xi32>
    %broadcast_in_dim3A_135 = vector.broadcast %jit3A_133 : i32 to vector<16xi32>
    %select_n3A_136 = arith.select %lt3A_131, %broadcast_in_dim3A_134, %broadcast_in_dim3A_135 : vector<16xi1>, vector<16xi32>
    %add3A_137 = arith.addi %add3A_128, %select_n3A_136 : vector<16xi32>
    %swap3A_138 = arith.constant 32 : index
    %swap3A_139 = tpu.vector_load %arg6[%swap3A_138] {strides = array<i32>} : memref<128xi32, #tpu.memory_space<vmem>>, vector<16xi32>,
    %swap3A_140 = vector.shape_cast %swap3A_139 : vector<16xi32> to vector<16xi32>
    %swap3A_141 = vector.shape_cast %add3A_137 : vector<16xi32> to vector<16xi32>
    tpu.vector_store %arg6[%swap3A_138], %swap3A_141 {strides = array<i32>} : memref<128xi32, #tpu.memory_space<vmem>>, vector<16xi32>,
    %get3A_142 = arith.constant 48 : index
    %get3A_143 = tpu.vector_load %arg5[%get3A_142] {strides = array<i32>} : memref<128xi32, #tpu.memory_space<vmem>>, vector<16xi32>,
    %get3A_144 = vector.shape_cast %get3A_143 : vector<16xi32> to vector<16xi32>
    %add3A_145 = arith.addi %get3A_144, %get3A_144 : vector<16xi32>
    %lt3A_146 = arith.constant 51200 : i32
    %lt3A_147 = vector.broadcast %lt3A_146 : i32 to vector<16xi32>
    %lt3A_148 = arith.cmpi slt, %get3A_144, %lt3A_147 : vector<16xi32>
    %jit3A_149 = arith.constant 0 : i32
    %jit3A_150 = arith.constant -102399 : i32
    %broadcast_in_dim3A_151 = vector.broadcast %jit3A_149 : i32 to vector<16xi32>
    %broadcast_in_dim3A_152 = vector.broadcast %jit3A_150 : i32 to vector<16xi32>
    %select_n3A_153 = arith.select %lt3A_148, %broadcast_in_dim3A_151, %broadcast_in_dim3A_152 : vector<16xi1>, vector<16xi32>
    %add3A_154 = arith.addi %add3A_145, %select_n3A_153 : vector<16xi32>
    %swap3A_155 = arith.constant 48 : index
    %swap3A_156 = tpu.vector_load %arg6[%swap3A_155] {strides = array<i32>} : memref<128xi32, #tpu.memory_space<vmem>>, vector<16xi32>,
    %swap3A_157 = vector.shape_cast %swap3A_156 : vector<16xi32> to vector<16xi32>
    %swap3A_158 = vector.shape_cast %add3A_154 : vector<16xi32> to vector<16xi32>
    tpu.vector_store %arg6[%swap3A_155], %swap3A_158 {strides = array<i32>} : memref<128xi32, #tpu.memory_space<vmem>>, vector<16xi32>,
    %get3A_159 = arith.constant 64 : index
    %get3A_160 = tpu.vector_load %arg5[%get3A_159] {strides = array<i32>} : memref<128xi32, #tpu.memory_space<vmem>>, vector<16xi32>,
    %get3A_161 = vector.shape_cast %get3A_160 : vector<16xi32> to vector<16xi32>
    %add3A_162 = arith.addi %get3A_161, %get3A_161 : vector<16xi32>
    %lt3A_163 = arith.constant 51200 : i32
    %lt3A_164 = vector.broadcast %lt3A_163 : i32 to vector<16xi32>
    %lt3A_165 = arith.cmpi slt, %get3A_161, %lt3A_164 : vector<16xi32>
    %jit3A_166 = arith.constant 0 : i32
    %jit3A_167 = arith.constant -102399 : i32
    %broadcast_in_dim3A_168 = vector.broadcast %jit3A_166 : i32 to vector<16xi32>
    %broadcast_in_dim3A_169 = vector.broadcast %jit3A_167 : i32 to vector<16xi32>
    %select_n3A_170 = arith.select %lt3A_165, %broadcast_in_dim3A_168, %broadcast_in_dim3A_169 : vector<16xi1>, vector<16xi32>
    %add3A_171 = arith.addi %add3A_162, %select_n3A_170 : vector<16xi32>
    %swap3A_172 = arith.constant 64 : index
    %swap3A_173 = tpu.vector_load %arg6[%swap3A_172] {strides = array<i32>} : memref<128xi32, #tpu.memory_space<vmem>>, vector<16xi32>,
    %swap3A_174 = vector.shape_cast %swap3A_173 : vector<16xi32> to vector<16xi32>
    %swap3A_175 = vector.shape_cast %add3A_171 : vector<16xi32> to vector<16xi32>
    tpu.vector_store %arg6[%swap3A_172], %swap3A_175 {strides = array<i32>} : memref<128xi32, #tpu.memory_space<vmem>>, vector<16xi32>,
    %get3A_176 = arith.constant 80 : index
    %get3A_177 = tpu.vector_load %arg5[%get3A_176] {strides = array<i32>} : memref<128xi32, #tpu.memory_space<vmem>>, vector<16xi32>,
    %get3A_178 = vector.shape_cast %get3A_177 : vector<16xi32> to vector<16xi32>
    %add3A_179 = arith.addi %get3A_178, %get3A_178 : vector<16xi32>
    %lt3A_180 = arith.constant 51200 : i32
    %lt3A_181 = vector.broadcast %lt3A_180 : i32 to vector<16xi32>
    %lt3A_182 = arith.cmpi slt, %get3A_178, %lt3A_181 : vector<16xi32>
    %jit3A_183 = arith.constant 0 : i32
    %jit3A_184 = arith.constant -102399 : i32
    %broadcast_in_dim3A_185 = vector.broadcast %jit3A_183 : i32 to vector<16xi32>
    %broadcast_in_dim3A_186 = vector.broadcast %jit3A_184 : i32 to vector<16xi32>
    %select_n3A_187 = arith.select %lt3A_182, %broadcast_in_dim3A_185, %broadcast_in_dim3A_186 : vector<16xi1>, vector<16xi32>
    %add3A_188 = arith.addi %add3A_179, %select_n3A_187 : vector<16xi32>
    %swap3A_189 = arith.constant 80 : index
    %swap3A_190 = tpu.vector_load %arg6[%swap3A_189] {strides = array<i32>} : memref<128xi32, #tpu.memory_space<vmem>>, vector<16xi32>,
    %swap3A_191 = vector.shape_cast %swap3A_190 : vector<16xi32> to vector<16xi32>
    %swap3A_192 = vector.shape_cast %add3A_188 : vector<16xi32> to vector<16xi32>
    tpu.vector_store %arg6[%swap3A_189], %swap3A_192 {strides = array<i32>} : memref<128xi32, #tpu.memory_space<vmem>>, vector<16xi32>,
    %get3A_193 = arith.constant 96 : index
    %get3A_194 = tpu.vector_load %arg5[%get3A_193] {strides = array<i32>} : memref<128xi32, #tpu.memory_space<vmem>>, vector<16xi32>,
    %get3A_195 = vector.shape_cast %get3A_194 : vector<16xi32> to vector<16xi32>
    %add3A_196 = arith.addi %get3A_195, %get3A_195 : vector<16xi32>
    %lt3A_197 = arith.constant 51200 : i32
    %lt3A_198 = vector.broadcast %lt3A_197 : i32 to vector<16xi32>
    %lt3A_199 = arith.cmpi slt, %get3A_195, %lt3A_198 : vector<16xi32>
    %jit3A_200 = arith.constant 0 : i32
    %jit3A_201 = arith.constant -102399 : i32
    %broadcast_in_dim3A_202 = vector.broadcast %jit3A_200 : i32 to vector<16xi32>
    %broadcast_in_dim3A_203 = vector.broadcast %jit3A_201 : i32 to vector<16xi32>
    %select_n3A_204 = arith.select %lt3A_199, %broadcast_in_dim3A_202, %broadcast_in_dim3A_203 : vector<16xi1>, vector<16xi32>
    %add3A_205 = arith.addi %add3A_196, %select_n3A_204 : vector<16xi32>
    %swap3A_206 = arith.constant 96 : index
    %swap3A_207 = tpu.vector_load %arg6[%swap3A_206] {strides = array<i32>} : memref<128xi32, #tpu.memory_space<vmem>>, vector<16xi32>,
    %swap3A_208 = vector.shape_cast %swap3A_207 : vector<16xi32> to vector<16xi32>
    %swap3A_209 = vector.shape_cast %add3A_205 : vector<16xi32> to vector<16xi32>
    tpu.vector_store %arg6[%swap3A_206], %swap3A_209 {strides = array<i32>} : memref<128xi32, #tpu.memory_space<vmem>>, vector<16xi32>,
    %get3A_210 = arith.constant 112 : index
    %get3A_211 = tpu.vector_load %arg5[%get3A_210] {strides = array<i32>} : memref<128xi32, #tpu.memory_space<vmem>>, vector<16xi32>,
    %get3A_212 = vector.shape_cast %get3A_211 : vector<16xi32> to vector<16xi32>
    %add3A_213 = arith.addi %get3A_212, %get3A_212 : vector<16xi32>
    %lt3A_214 = arith.constant 51200 : i32
    %lt3A_215 = vector.broadcast %lt3A_214 : i32 to vector<16xi32>
    %lt3A_216 = arith.cmpi slt, %get3A_212, %lt3A_215 : vector<16xi32>
    %jit3A_217 = arith.constant 0 : i32
    %jit3A_218 = arith.constant -102399 : i32
    %broadcast_in_dim3A_219 = vector.broadcast %jit3A_217 : i32 to vector<16xi32>
    %broadcast_in_dim3A_220 = vector.broadcast %jit3A_218 : i32 to vector<16xi32>
    %select_n3A_221 = arith.select %lt3A_216, %broadcast_in_dim3A_219, %broadcast_in_dim3A_220 : vector<16xi1>, vector<16xi32>
    %add3A_222 = arith.addi %add3A_213, %select_n3A_221 : vector<16xi32>
    %swap3A_223 = arith.constant 112 : index
    %swap3A_224 = tpu.vector_load %arg6[%swap3A_223] {strides = array<i32>} : memref<128xi32, #tpu.memory_space<vmem>>, vector<16xi32>,
    %swap3A_225 = vector.shape_cast %swap3A_224 : vector<16xi32> to vector<16xi32>
    %swap3A_226 = vector.shape_cast %add3A_222 : vector<16xi32> to vector<16xi32>
    tpu.vector_store %arg6[%swap3A_223], %swap3A_226 {strides = array<i32>} : memref<128xi32, #tpu.memory_space<vmem>>, vector<16xi32>,
    %dma_start3A_227 = arith.constant 0 : i32
    %dma_start3A_228 = arith.constant 0 : i32
    %dma_start3A_229 = tpu.memref_slice %arg2[%dma_start3A_227, %dma_start3A_228] : memref<102400x64xf32, #tpu.memory_space<hbm>> -> memref<102400x64xf32, #tpu.memory_space<hbm>>
    tpu.enqueue_indirect_dma source(%dma_start3A_229 : memref<102400x64xf32, #tpu.memory_space<hbm>>) target(%arg7 : memref<128x64xf32, #tpu.memory_space<vmem>>) offsets(%arg6 : memref<128xi32, #tpu.memory_space<vmem>>) semaphore(%arg8 : memref<!tpu.dma_semaphore, #tpu.memory_space<semaphore_mem>>)
    %dma_wait3A_230 = arith.constant 0 : i32
    %dma_wait3A_231 = arith.constant 0 : i32
    %dma_wait3A_232 = tpu.memref_slice %arg2[%dma_wait3A_230, %dma_wait3A_231] : memref<102400x64xf32, #tpu.memory_space<hbm>> -> memref<102400x64xf32, #tpu.memory_space<hbm>>
    tpu.wait_indirect_dma semaphore(%arg8 : memref<!tpu.dma_semaphore, #tpu.memory_space<semaphore_mem>>) src(%dma_wait3A_232 : memref<102400x64xf32, #tpu.memory_space<hbm>>) dst(%arg7 : memref<128x64xf32, #tpu.memory_space<vmem>>)
    "tpu.region"() ({
      %run_scoped3A = tpu.sem_alloc : memref<!tpu.dma_semaphore, #tpu.memory_space<semaphore_mem>>
      %dma_start3A_233 = arith.constant 0 : i32
      %dma_start3A_234 = tpu.memref_slice %arg4[%mul3A_2, %dma_start3A_233] : memref<4096x128xf32, #tpu.memory_space<hbm>> -> memref<128x64xf32, #tpu.memory_space<hbm>>
      %dma_start3A_235 = arith.constant 0 : i32
      %dma_start3A_236 = tpu.memref_slice %arg4[%mul3A_2, %dma_start3A_235] : memref<4096x128xf32, #tpu.memory_space<hbm>> -> memref<128x64xf32, #tpu.memory_space<hbm>>
      tpu.enqueue_dma source(%arg7 : memref<128x64xf32, #tpu.memory_space<vmem>>) target(%dma_start3A_236 : memref<128x64xf32, #tpu.memory_space<hbm>>) target_semaphore(%run_scoped3A : memref<!tpu.dma_semaphore, #tpu.memory_space<semaphore_mem>>)
      %dma_wait3A_237 = arith.constant 0 : i32
      %dma_wait3A_238 = tpu.memref_slice %arg4[%mul3A_2, %dma_wait3A_237] : memref<4096x128xf32, #tpu.memory_space<hbm>> -> memref<128x64xf32, #tpu.memory_space<hbm>>
      %dma_wait3A_239 = arith.constant 0 : i32
      %dma_wait3A_240 = tpu.memref_slice %arg4[%mul3A_2, %dma_wait3A_239] : memref<4096x128xf32, #tpu.memory_space<hbm>> -> memref<128x64xf32, #tpu.memory_space<hbm>>
      tpu.wait_dma2 semaphore(%run_scoped3A : memref<!tpu.dma_semaphore, #tpu.memory_space<semaphore_mem>>) src(%arg7 : memref<128x64xf32, #tpu.memory_space<vmem>>) dst(%dma_wait3A_240 : memref<128x64xf32, #tpu.memory_space<hbm>>)
      tpu.yield
    }) : () -> ()
    return
  }
}

module attributes {stable_mosaic.version = 14 : i64} {
  func.func @body(%arg0: i32, %arg1: memref<64x2048xf32, #tpu.memory_space<vmem>>, %arg2: memref<64x2048xf32, #tpu.memory_space<vmem>>, %arg3: memref<2048x128xf32, #tpu.memory_space<vmem>>) attributes {dimension_semantics = [#tpu.dimension_semantics<arbitrary>], iteration_bounds = array<i64: 25>, scalar_prefetch = 0 : i64, scratch_operands = 0 : i64, tpu.core_type = #tpu.core_type<tc>, window_params = [{transform_indices = @transform_0, window_bounds = array<i64: 64, 2048>}, {transform_indices = @transform_1, window_bounds = array<i64: 64, 2048>}, {transform_indices = @transform_2, window_bounds = array<i64: 2048, 128>}]} {
    %get3A = arith.constant 0 : index
    %get3A_0 = arith.constant 0 : index
    %get3A_1 = vector.load %arg1[%get3A, %get3A_0] : memref<64x2048xf32, #tpu.memory_space<vmem>>, vector<64x2048xf32>
    %transpose3A = tpu.transpose %get3A_1, [1, 0] : vector<64x2048xf32> -> vector<2048x64xf32>
    %swap3A = arith.constant 0 : index
    %swap3A_2 = arith.constant 0 : index
    %swap3A_3 = vector.load %arg3[%swap3A, %swap3A_2] : memref<2048x128xf32, #tpu.memory_space<vmem>>, vector<2048x64xf32>
    tpu.vector_store %arg3[%swap3A, %swap3A_2], %transpose3A {strides = array<i32>} : memref<2048x128xf32, #tpu.memory_space<vmem>>, vector<2048x64xf32>,
    %get3A_4 = arith.constant 0 : index
    %get3A_5 = arith.constant 0 : index
    %get3A_6 = vector.load %arg2[%get3A_4, %get3A_5] : memref<64x2048xf32, #tpu.memory_space<vmem>>, vector<64x2048xf32>
    %transpose3A_7 = tpu.transpose %get3A_6, [1, 0] : vector<64x2048xf32> -> vector<2048x64xf32>
    %swap3A_8 = arith.constant 0 : index
    %swap3A_9 = arith.constant 64 : index
    %swap3A_10 = vector.load %arg3[%swap3A_8, %swap3A_9] : memref<2048x128xf32, #tpu.memory_space<vmem>>, vector<2048x64xf32>
    tpu.vector_store %arg3[%swap3A_8, %swap3A_9], %transpose3A_7 {strides = array<i32>} : memref<2048x128xf32, #tpu.memory_space<vmem>>, vector<2048x64xf32>,
    return
  }
  func.func @transform_0(%arg0: i32) -> (i32, i32) {
    %c0_i32 = arith.constant 0 : i32
    %c0_i32_0 = arith.constant 0 : i32
    return %c0_i32, %arg0 : i32, i32
  }
  func.func @transform_1(%arg0: i32) -> (i32, i32) {
    %add3A = arith.constant 25 : i32
    %add3A_0 = arith.addi %arg0, %add3A : i32
    %min3A = arith.constant 48 : i32
    %min3A_1 = arith.minsi %add3A_0, %min3A : i32
    %c0_i32 = arith.constant 0 : i32
    %c0_i32_2 = arith.constant 0 : i32
    return %c0_i32, %min3A_1 : i32, i32
  }
  func.func @transform_2(%arg0: i32) -> (i32, i32) {
    %c0_i32 = arith.constant 0 : i32
    %c0_i32_0 = arith.constant 0 : i32
    return %arg0, %c0_i32 : i32, i32
  }
}

module attributes {stable_mosaic.version = 14 : i64} {
  func.func @_tc_body(%arg0: i32, %arg1: i32, %arg2: memref<512x128xf32, #tpu.memory_space<vmem>>, %arg3: memref<64x4096xf32, #tpu.memory_space<vmem>>, %arg4: memref<1x16x64xf32, #tpu.memory_space<vmem>>, %arg5: memref<32x4096xf32, #tpu.memory_space<vmem>>, %arg6: memref<1x64xf32, #tpu.memory_space<vmem>>, %arg7: memref<1x64xf32, #tpu.memory_space<vmem>>, %arg8: memref<16xf32, #tpu.memory_space<smem>>, %arg9: memref<1xf32, #tpu.memory_space<smem>>, %arg10: memref<1x1x32xf32, #tpu.memory_space<vmem>>, %arg11: memref<1x512x1xf32, #tpu.memory_space<vmem>>, %arg12: memref<512x1xf32, #tpu.memory_space<vmem>>) attributes {dimension_semantics = [#tpu.dimension_semantics<parallel>, #tpu.dimension_semantics<arbitrary>], iteration_bounds = array<i64: 8, 1>, scalar_prefetch = 0 : i64, scratch_operands = 1 : i64, tpu.core_type = #tpu.core_type<tc>, window_params = [{transform_indices = @transform_0, window_bounds = array<i64: 512, 128>}, {transform_indices = @transform_1, window_bounds = array<i64: 64, 4096>}, {transform_indices = @transform_2, window_bounds = array<i64: 1, 16, 64>}, {transform_indices = @transform_3, window_bounds = array<i64: 32, 4096>}, {pipeline_mode = #tpu.pipeline_mode<synchronous>, transform_indices = @transform_4, window_bounds = array<i64: 1, 64>}, {pipeline_mode = #tpu.pipeline_mode<synchronous>, transform_indices = @transform_5, window_bounds = array<i64: 1, 64>}, {transform_indices = @transform_6, window_bounds = array<i64: 16>}, {transform_indices = @transform_7, window_bounds = array<i64: 1>}, {transform_indices = @transform_8, window_bounds = array<i64: 1, 1, 32>}, {transform_indices = @transform_9, window_bounds = array<i64: 1, 512, 1>}]} {
    %eq3A = arith.constant 0 : i32
    %eq3A_0 = arith.cmpi eq, %arg1, %eq3A : i32
    %convert_element_type3A = arith.extui %eq3A_0 : i1 to i32
    %cond3A = arith.constant 0 : i32
    %cond3A_1 = arith.cmpi ne, %convert_element_type3A, %cond3A : i32
    scf.if %cond3A_1 {
      %get3A_823 = arith.constant 0 : index
      %get3A_824 = arith.constant 0 : index
      %get3A_825 = vector.load %arg2[%get3A_823, %get3A_824] : memref<512x128xf32, #tpu.memory_space<vmem>>, vector<512x64xf32>
      %get3A_826 = arith.constant 0 : index
      %get3A_827 = arith.constant 0 : index
      %get3A_828 = vector.load %arg6[%get3A_826, %get3A_827] : memref<1x64xf32, #tpu.memory_space<vmem>>, vector<1x64xf32>
      %mul3A = vector.broadcast %get3A_828 : vector<1x64xf32> to vector<512x64xf32>
      %mul3A_829 = arith.mulf %get3A_825, %mul3A : vector<512x64xf32>
      %reduce_sum3A = arith.constant dense<0.000000e+00> : vector<512xf32>
      %reduce_sum3A_830 = vector.multi_reduction <add>, %mul3A_829, %reduce_sum3A [1] : vector<512x64xf32> to vector<512xf32>
      %broadcast_in_dim3A_831 = vector.shape_cast %reduce_sum3A_830 : vector<512xf32> to vector<512x1xf32>
      %reshape3A = vector.shape_cast %broadcast_in_dim3A_831 : vector<512x1xf32> to vector<16x32x1xf32>
      %reduce_max3A = arith.constant dense<0xFF800000> : vector<16x1xf32>
      %reduce_max3A_832 = vector.multi_reduction <maximumf>, %reshape3A, %reduce_max3A [1] : vector<16x32x1xf32> to vector<16x1xf32>
      %broadcast_in_dim3A_833 = vector.shape_cast %reduce_max3A_832 : vector<16x1xf32> to vector<16x1x1xf32>
      %sub3A = vector.broadcast %broadcast_in_dim3A_833 : vector<16x1x1xf32> to vector<16x32x1xf32>
      %sub3A_834 = arith.subf %reshape3A, %sub3A : vector<16x32x1xf32>
      %exp3A = math.exp %sub3A_834 : vector<16x32x1xf32>
      %reduce_sum3A_835 = arith.constant dense<0.000000e+00> : vector<16x1xf32>
      %reduce_sum3A_836 = vector.multi_reduction <add>, %exp3A, %reduce_sum3A_835 [1] : vector<16x32x1xf32> to vector<16x1xf32>
      %broadcast_in_dim3A_837 = vector.shape_cast %reduce_sum3A_836 : vector<16x1xf32> to vector<16x1x1xf32>
      %div3A = vector.broadcast %broadcast_in_dim3A_837 : vector<16x1x1xf32> to vector<16x32x1xf32>
      %div3A_838 = arith.divf %exp3A, %div3A : vector<16x32x1xf32>
      %get3A_839 = arith.constant 0 : index
      %get3A_840 = arith.constant 0 : index
      %get3A_841 = arith.constant 0 : index
      %get3A_842 = vector.load %arg4[%get3A_839, %get3A_840, %get3A_841] : memref<1x16x64xf32, #tpu.memory_space<vmem>>, vector<1x16x64xf32>
      %get3A_843 = vector.shape_cast %get3A_842 : vector<1x16x64xf32> to vector<16x64xf32>
      %get3A_844 = arith.constant 0 : index
      %get3A_845 = arith.constant 0 : index
      %get3A_846 = vector.load %arg7[%get3A_844, %get3A_845] : memref<1x64xf32, #tpu.memory_space<vmem>>, vector<1x64xf32>
      %mul3A_847 = vector.broadcast %get3A_846 : vector<1x64xf32> to vector<16x64xf32>
      %mul3A_848 = arith.mulf %get3A_843, %mul3A_847 : vector<16x64xf32>
      %reduce_sum3A_849 = arith.constant dense<0.000000e+00> : vector<16xf32>
      %reduce_sum3A_850 = vector.multi_reduction <add>, %mul3A_848, %reduce_sum3A_849 [1] : vector<16x64xf32> to vector<16xf32>
      %broadcast_in_dim3A_851 = vector.shape_cast %reduce_sum3A_850 : vector<16xf32> to vector<16x1xf32>
      %reduce_max3A_852 = arith.constant dense<0xFF800000> : vector<1xf32>
      %reduce_max3A_853 = vector.multi_reduction <maximumf>, %broadcast_in_dim3A_851, %reduce_max3A_852 [0] : vector<16x1xf32> to vector<1xf32>
      %broadcast_in_dim3A_854 = vector.shape_cast %reduce_max3A_853 : vector<1xf32> to vector<1x1xf32>
      %sub3A_855 = vector.broadcast %broadcast_in_dim3A_854 : vector<1x1xf32> to vector<16x1xf32>
      %sub3A_856 = arith.subf %broadcast_in_dim3A_851, %sub3A_855 : vector<16x1xf32>
      %exp3A_857 = math.exp %sub3A_856 : vector<16x1xf32>
      %reduce_sum3A_858 = arith.constant dense<0.000000e+00> : vector<1xf32>
      %reduce_sum3A_859 = vector.multi_reduction <add>, %exp3A_857, %reduce_sum3A_858 [0] : vector<16x1xf32> to vector<1xf32>
      %broadcast_in_dim3A_860 = vector.shape_cast %reduce_sum3A_859 : vector<1xf32> to vector<1x1xf32>
      %div3A_861 = vector.broadcast %broadcast_in_dim3A_860 : vector<1x1xf32> to vector<16x1xf32>
      %div3A_862 = arith.divf %exp3A_857, %div3A_861 : vector<16x1xf32>
      %reshape3A_863 = vector.shape_cast %div3A_862 : vector<16x1xf32> to vector<16x1x1xf32>
      %mul3A_864 = vector.broadcast %reshape3A_863 : vector<16x1x1xf32> to vector<16x32x1xf32>
      %mul3A_865 = arith.mulf %div3A_838, %mul3A_864 : vector<16x32x1xf32>
      %reshape3A_866 = vector.shape_cast %mul3A_865 : vector<16x32x1xf32> to vector<512x1xf32>
      %swap3A = arith.constant 0 : index
      %swap3A_867 = arith.constant 0 : index
      %swap3A_868 = vector.load %arg12[%swap3A, %swap3A_867] : memref<512x1xf32, #tpu.memory_space<vmem>>, vector<512x1xf32>
      tpu.vector_store %arg12[%swap3A, %swap3A_867], %reshape3A_866 {strides = array<i32>} : memref<512x1xf32, #tpu.memory_space<vmem>>, vector<512x1xf32>,
      %swap3A_869 = arith.constant 0 : index
      %swap3A_870 = arith.constant 0 : index
      %swap3A_871 = arith.constant 0 : index
      %swap3A_872 = vector.load %arg11[%swap3A_869, %swap3A_870, %swap3A_871] : memref<1x512x1xf32, #tpu.memory_space<vmem>>, vector<1x512x1xf32>
      %swap3A_873 = vector.shape_cast %swap3A_872 : vector<1x512x1xf32> to vector<512x1xf32>
      %swap3A_874 = vector.shape_cast %reshape3A_866 : vector<512x1xf32> to vector<1x512x1xf32>
      tpu.vector_store %arg11[%swap3A_869, %swap3A_870, %swap3A_871], %swap3A_874 {strides = array<i32>} : memref<1x512x1xf32, #tpu.memory_space<vmem>>, vector<1x512x1xf32>,
    } else {
    }
    %get3A = arith.constant 0 : index
    %get3A_2 = memref.load %arg9[%get3A] : memref<1xf32, #tpu.memory_space<smem>>
    %get3A_3 = arith.constant 0 : index
    %get3A_4 = memref.load %arg8[%get3A_3] : memref<16xf32, #tpu.memory_space<smem>>
    %max3A = arith.constant 0.000000e+00 : f32
    %max3A_5 = arith.maximumf %get3A_4, %max3A : f32
    %add3A = arith.addf %get3A_2, %max3A_5 : f32
    %get3A_6 = arith.constant 1 : index
    %get3A_7 = memref.load %arg8[%get3A_6] : memref<16xf32, #tpu.memory_space<smem>>
    %max3A_8 = arith.constant 0.000000e+00 : f32
    %max3A_9 = arith.maximumf %get3A_7, %max3A_8 : f32
    %add3A_10 = arith.addf %add3A, %max3A_9 : f32
    %get3A_11 = arith.constant 2 : index
    %get3A_12 = memref.load %arg8[%get3A_11] : memref<16xf32, #tpu.memory_space<smem>>
    %max3A_13 = arith.constant 0.000000e+00 : f32
    %max3A_14 = arith.maximumf %get3A_12, %max3A_13 : f32
    %add3A_15 = arith.addf %add3A_10, %max3A_14 : f32
    %get3A_16 = arith.constant 3 : index
    %get3A_17 = memref.load %arg8[%get3A_16] : memref<16xf32, #tpu.memory_space<smem>>
    %max3A_18 = arith.constant 0.000000e+00 : f32
    %max3A_19 = arith.maximumf %get3A_17, %max3A_18 : f32
    %add3A_20 = arith.addf %add3A_15, %max3A_19 : f32
    %get3A_21 = arith.constant 4 : index
    %get3A_22 = memref.load %arg8[%get3A_21] : memref<16xf32, #tpu.memory_space<smem>>
    %max3A_23 = arith.constant 0.000000e+00 : f32
    %max3A_24 = arith.maximumf %get3A_22, %max3A_23 : f32
    %add3A_25 = arith.addf %add3A_20, %max3A_24 : f32
    %get3A_26 = arith.constant 5 : index
    %get3A_27 = memref.load %arg8[%get3A_26] : memref<16xf32, #tpu.memory_space<smem>>
    %max3A_28 = arith.constant 0.000000e+00 : f32
    %max3A_29 = arith.maximumf %get3A_27, %max3A_28 : f32
    %add3A_30 = arith.addf %add3A_25, %max3A_29 : f32
    %get3A_31 = arith.constant 6 : index
    %get3A_32 = memref.load %arg8[%get3A_31] : memref<16xf32, #tpu.memory_space<smem>>
    %max3A_33 = arith.constant 0.000000e+00 : f32
    %max3A_34 = arith.maximumf %get3A_32, %max3A_33 : f32
    %add3A_35 = arith.addf %add3A_30, %max3A_34 : f32
    %get3A_36 = arith.constant 7 : index
    %get3A_37 = memref.load %arg8[%get3A_36] : memref<16xf32, #tpu.memory_space<smem>>
    %max3A_38 = arith.constant 0.000000e+00 : f32
    %max3A_39 = arith.maximumf %get3A_37, %max3A_38 : f32
    %add3A_40 = arith.addf %add3A_35, %max3A_39 : f32
    %get3A_41 = arith.constant 8 : index
    %get3A_42 = memref.load %arg8[%get3A_41] : memref<16xf32, #tpu.memory_space<smem>>
    %max3A_43 = arith.constant 0.000000e+00 : f32
    %max3A_44 = arith.maximumf %get3A_42, %max3A_43 : f32
    %add3A_45 = arith.addf %add3A_40, %max3A_44 : f32
    %get3A_46 = arith.constant 9 : index
    %get3A_47 = memref.load %arg8[%get3A_46] : memref<16xf32, #tpu.memory_space<smem>>
    %max3A_48 = arith.constant 0.000000e+00 : f32
    %max3A_49 = arith.maximumf %get3A_47, %max3A_48 : f32
    %add3A_50 = arith.addf %add3A_45, %max3A_49 : f32
    %get3A_51 = arith.constant 10 : index
    %get3A_52 = memref.load %arg8[%get3A_51] : memref<16xf32, #tpu.memory_space<smem>>
    %max3A_53 = arith.constant 0.000000e+00 : f32
    %max3A_54 = arith.maximumf %get3A_52, %max3A_53 : f32
    %add3A_55 = arith.addf %add3A_50, %max3A_54 : f32
    %get3A_56 = arith.constant 11 : index
    %get3A_57 = memref.load %arg8[%get3A_56] : memref<16xf32, #tpu.memory_space<smem>>
    %max3A_58 = arith.constant 0.000000e+00 : f32
    %max3A_59 = arith.maximumf %get3A_57, %max3A_58 : f32
    %add3A_60 = arith.addf %add3A_55, %max3A_59 : f32
    %get3A_61 = arith.constant 12 : index
    %get3A_62 = memref.load %arg8[%get3A_61] : memref<16xf32, #tpu.memory_space<smem>>
    %max3A_63 = arith.constant 0.000000e+00 : f32
    %max3A_64 = arith.maximumf %get3A_62, %max3A_63 : f32
    %add3A_65 = arith.addf %add3A_60, %max3A_64 : f32
    %get3A_66 = arith.constant 13 : index
    %get3A_67 = memref.load %arg8[%get3A_66] : memref<16xf32, #tpu.memory_space<smem>>
    %max3A_68 = arith.constant 0.000000e+00 : f32
    %max3A_69 = arith.maximumf %get3A_67, %max3A_68 : f32
    %add3A_70 = arith.addf %add3A_65, %max3A_69 : f32
    %get3A_71 = arith.constant 14 : index
    %get3A_72 = memref.load %arg8[%get3A_71] : memref<16xf32, #tpu.memory_space<smem>>
    %max3A_73 = arith.constant 0.000000e+00 : f32
    %max3A_74 = arith.maximumf %get3A_72, %max3A_73 : f32
    %add3A_75 = arith.addf %add3A_70, %max3A_74 : f32
    %get3A_76 = arith.constant 15 : index
    %get3A_77 = memref.load %arg8[%get3A_76] : memref<16xf32, #tpu.memory_space<smem>>
    %max3A_78 = arith.constant 0.000000e+00 : f32
    %max3A_79 = arith.maximumf %get3A_77, %max3A_78 : f32
    %add3A_80 = arith.addf %add3A_75, %max3A_79 : f32
    %get3A_81 = arith.constant 0 : index
    %get3A_82 = arith.constant 0 : index
    %get3A_83 = vector.load %arg12[%get3A_81, %get3A_82] : memref<512x1xf32, #tpu.memory_space<vmem>>, vector<512x1xf32>
    %get3A_84 = arith.constant 0 : index
    %get3A_85 = arith.constant 0 : index
    %get3A_86 = vector.load %arg2[%get3A_84, %get3A_85] : memref<512x128xf32, #tpu.memory_space<vmem>>, vector<512x64xf32>
    %get3A_87 = arith.constant 0 : index
    %get3A_88 = arith.constant 0 : index
    %get3A_89 = vector.load %arg3[%get3A_87, %get3A_88] : memref<64x4096xf32, #tpu.memory_space<vmem>>, vector<64x512xf32>
    %dot_general3A = arith.constant dense<0.000000e+00> : vector<512x512xf32>
    %dot_general3A_90 = tpu.matmul %get3A_86, %get3A_89, %dot_general3A {dimension_numbers = #tpu.dot_dimension_numbers<[1], [0], [0], [1], [0, 0, 1, 1], [], []>, transpose_lhs_hint = false} : vector<512x64xf32>, vector<64x512xf32>, vector<512x512xf32> -> vector<512x512xf32>
    %ge3A = arith.constant 2.450000e-01 : f32
    %ge3A_91 = vector.broadcast %ge3A : f32 to vector<512x512xf32>
    %ge3A_92 = arith.cmpf oge, %dot_general3A_90, %ge3A_91 : vector<512x512xf32>
    %jit3A = arith.constant 0.670714259 : f32
    %jit3A_93 = arith.constant -0.180714279 : f32
    %broadcast_in_dim3A = vector.broadcast %jit3A : f32 to vector<512x512xf32>
    %broadcast_in_dim3A_94 = vector.broadcast %jit3A_93 : f32 to vector<512x512xf32>
    %select_n3A = arith.select %ge3A_92, %broadcast_in_dim3A, %broadcast_in_dim3A_94 : vector<512x512xi1>, vector<512x512xf32>
    %ge3A_95 = arith.cmpf oge, %dot_general3A_90, %select_n3A : vector<512x512xf32>
    %jit3A_96 = arith.constant 0.883571445 : f32
    %jit3A_97 = arith.constant 0.457857132 : f32
    %broadcast_in_dim3A_98 = vector.broadcast %jit3A_96 : f32 to vector<512x512xf32>
    %broadcast_in_dim3A_99 = vector.broadcast %jit3A_97 : f32 to vector<512x512xf32>
    %select_n3A_100 = arith.select %ge3A_95, %broadcast_in_dim3A_98, %broadcast_in_dim3A_99 : vector<512x512xi1>, vector<512x512xf32>
    %jit3A_101 = arith.constant 0.032142859 : f32
    %jit3A_102 = arith.constant -0.393571436 : f32
    %broadcast_in_dim3A_103 = vector.broadcast %jit3A_101 : f32 to vector<512x512xf32>
    %broadcast_in_dim3A_104 = vector.broadcast %jit3A_102 : f32 to vector<512x512xf32>
    %select_n3A_105 = arith.select %ge3A_95, %broadcast_in_dim3A_103, %broadcast_in_dim3A_104 : vector<512x512xi1>, vector<512x512xf32>
    %select_n3A_106 = arith.select %ge3A_92, %select_n3A_100, %select_n3A_105 : vector<512x512xi1>, vector<512x512xf32>
    %ge3A_107 = arith.cmpf oge, %dot_general3A_90, %select_n3A_106 : vector<512x512xf32>
    %jit3A_108 = arith.constant 9.900000e-01 : f32
    %jit3A_109 = arith.constant 0.564285696 : f32
    %broadcast_in_dim3A_110 = vector.broadcast %jit3A_108 : f32 to vector<512x512xf32>
    %broadcast_in_dim3A_111 = vector.broadcast %jit3A_109 : f32 to vector<512x512xf32>
    %select_n3A_112 = arith.select %ge3A_95, %broadcast_in_dim3A_110, %broadcast_in_dim3A_111 : vector<512x512xi1>, vector<512x512xf32>
    %jit3A_113 = arith.constant 0.138571426 : f32
    %jit3A_114 = arith.constant -0.287142843 : f32
    %broadcast_in_dim3A_115 = vector.broadcast %jit3A_113 : f32 to vector<512x512xf32>
    %broadcast_in_dim3A_116 = vector.broadcast %jit3A_114 : f32 to vector<512x512xf32>
    %select_n3A_117 = arith.select %ge3A_95, %broadcast_in_dim3A_115, %broadcast_in_dim3A_116 : vector<512x512xi1>, vector<512x512xf32>
    %select_n3A_118 = arith.select %ge3A_92, %select_n3A_112, %select_n3A_117 : vector<512x512xi1>, vector<512x512xf32>
    %jit3A_119 = arith.constant 0.777142882 : f32
    %jit3A_120 = arith.constant 0.351428568 : f32
    %broadcast_in_dim3A_121 = vector.broadcast %jit3A_119 : f32 to vector<512x512xf32>
    %broadcast_in_dim3A_122 = vector.broadcast %jit3A_120 : f32 to vector<512x512xf32>
    %select_n3A_123 = arith.select %ge3A_95, %broadcast_in_dim3A_121, %broadcast_in_dim3A_122 : vector<512x512xi1>, vector<512x512xf32>
    %jit3A_124 = arith.constant -0.0742857158 : f32
    %jit3A_125 = arith.constant -5.000000e-01 : f32
    %broadcast_in_dim3A_126 = vector.broadcast %jit3A_124 : f32 to vector<512x512xf32>
    %broadcast_in_dim3A_127 = vector.broadcast %jit3A_125 : f32 to vector<512x512xf32>
    %select_n3A_128 = arith.select %ge3A_95, %broadcast_in_dim3A_126, %broadcast_in_dim3A_127 : vector<512x512xi1>, vector<512x512xf32>
    %select_n3A_129 = arith.select %ge3A_92, %select_n3A_123, %select_n3A_128 : vector<512x512xi1>, vector<512x512xf32>
    %select_n3A_130 = arith.select %ge3A_107, %select_n3A_118, %select_n3A_129 : vector<512x512xi1>, vector<512x512xf32>
    %ge3A_131 = arith.cmpf oge, %dot_general3A_90, %select_n3A_130 : vector<512x512xf32>
    %broadcast_in_dim3A_132 = vector.broadcast %add3A_10 : f32 to vector<512x512xf32>
    %broadcast_in_dim3A_133 = vector.broadcast %add3A : f32 to vector<512x512xf32>
    %select_n3A_134 = arith.select %ge3A_131, %broadcast_in_dim3A_132, %broadcast_in_dim3A_133 : vector<512x512xi1>, vector<512x512xf32>
    %broadcast_in_dim3A_135 = vector.broadcast %add3A_20 : f32 to vector<512x512xf32>
    %broadcast_in_dim3A_136 = vector.broadcast %add3A_15 : f32 to vector<512x512xf32>
    %select_n3A_137 = arith.select %ge3A_131, %broadcast_in_dim3A_135, %broadcast_in_dim3A_136 : vector<512x512xi1>, vector<512x512xf32>
    %broadcast_in_dim3A_138 = vector.broadcast %add3A_30 : f32 to vector<512x512xf32>
    %broadcast_in_dim3A_139 = vector.broadcast %add3A_25 : f32 to vector<512x512xf32>
    %select_n3A_140 = arith.select %ge3A_131, %broadcast_in_dim3A_138, %broadcast_in_dim3A_139 : vector<512x512xi1>, vector<512x512xf32>
    %broadcast_in_dim3A_141 = vector.broadcast %add3A_40 : f32 to vector<512x512xf32>
    %broadcast_in_dim3A_142 = vector.broadcast %add3A_35 : f32 to vector<512x512xf32>
    %select_n3A_143 = arith.select %ge3A_131, %broadcast_in_dim3A_141, %broadcast_in_dim3A_142 : vector<512x512xi1>, vector<512x512xf32>
    %broadcast_in_dim3A_144 = vector.broadcast %add3A_50 : f32 to vector<512x512xf32>
    %broadcast_in_dim3A_145 = vector.broadcast %add3A_45 : f32 to vector<512x512xf32>
    %select_n3A_146 = arith.select %ge3A_131, %broadcast_in_dim3A_144, %broadcast_in_dim3A_145 : vector<512x512xi1>, vector<512x512xf32>
    %broadcast_in_dim3A_147 = vector.broadcast %add3A_60 : f32 to vector<512x512xf32>
    %broadcast_in_dim3A_148 = vector.broadcast %add3A_55 : f32 to vector<512x512xf32>
    %select_n3A_149 = arith.select %ge3A_131, %broadcast_in_dim3A_147, %broadcast_in_dim3A_148 : vector<512x512xi1>, vector<512x512xf32>
    %broadcast_in_dim3A_150 = vector.broadcast %add3A_70 : f32 to vector<512x512xf32>
    %broadcast_in_dim3A_151 = vector.broadcast %add3A_65 : f32 to vector<512x512xf32>
    %select_n3A_152 = arith.select %ge3A_131, %broadcast_in_dim3A_150, %broadcast_in_dim3A_151 : vector<512x512xi1>, vector<512x512xf32>
    %broadcast_in_dim3A_153 = vector.broadcast %add3A_80 : f32 to vector<512x512xf32>
    %broadcast_in_dim3A_154 = vector.broadcast %add3A_75 : f32 to vector<512x512xf32>
    %select_n3A_155 = arith.select %ge3A_131, %broadcast_in_dim3A_153, %broadcast_in_dim3A_154 : vector<512x512xi1>, vector<512x512xf32>
    %select_n3A_156 = arith.select %ge3A_107, %select_n3A_137, %select_n3A_134 : vector<512x512xi1>, vector<512x512xf32>
    %select_n3A_157 = arith.select %ge3A_107, %select_n3A_143, %select_n3A_140 : vector<512x512xi1>, vector<512x512xf32>
    %select_n3A_158 = arith.select %ge3A_107, %select_n3A_149, %select_n3A_146 : vector<512x512xi1>, vector<512x512xf32>
    %select_n3A_159 = arith.select %ge3A_107, %select_n3A_155, %select_n3A_152 : vector<512x512xi1>, vector<512x512xf32>
    %select_n3A_160 = arith.select %ge3A_95, %select_n3A_157, %select_n3A_156 : vector<512x512xi1>, vector<512x512xf32>
    %select_n3A_161 = arith.select %ge3A_95, %select_n3A_159, %select_n3A_158 : vector<512x512xi1>, vector<512x512xf32>
    %select_n3A_162 = arith.select %ge3A_92, %select_n3A_161, %select_n3A_160 : vector<512x512xi1>, vector<512x512xf32>
    %dot_general3A_163 = arith.constant dense<0.000000e+00> : vector<1x512xf32>
    %dot_general3A_164 = tpu.matmul %get3A_83, %select_n3A_162, %dot_general3A_163 {dimension_numbers = #tpu.dot_dimension_numbers<[0], [0], [1], [1], [0, 1, 1, 1], [], []>, transpose_lhs_hint = false} : vector<512x1xf32>, vector<512x512xf32>, vector<1x512xf32> -> vector<1x512xf32>
    %get3A_165 = arith.constant 0 : index
    %get3A_166 = arith.constant 0 : index
    %get3A_167 = vector.load %arg5[%get3A_165, %get3A_166] : memref<32x4096xf32, #tpu.memory_space<vmem>>, vector<32x512xf32>
    %dot_general3A_168 = arith.constant dense<0.000000e+00> : vector<1x32xf32>
    %dot_general3A_169 = tpu.matmul %dot_general3A_164, %get3A_167, %dot_general3A_168 {dimension_numbers = #tpu.dot_dimension_numbers<[1], [1], [0], [0], [0, 0, 1, 0], [], []>, transpose_lhs_hint = false} : vector<1x512xf32>, vector<32x512xf32>, vector<1x32xf32> -> vector<1x32xf32>
    %get3A_170 = arith.constant 0 : index
    %get3A_171 = arith.constant 0 : index
    %get3A_172 = vector.load %arg2[%get3A_170, %get3A_171] : memref<512x128xf32, #tpu.memory_space<vmem>>, vector<512x64xf32>
    %get3A_173 = arith.constant 0 : index
    %get3A_174 = arith.constant 512 : index
    %get3A_175 = vector.load %arg3[%get3A_173, %get3A_174] : memref<64x4096xf32, #tpu.memory_space<vmem>>, vector<64x512xf32>
    %dot_general3A_176 = arith.constant dense<0.000000e+00> : vector<512x512xf32>
    %dot_general3A_177 = tpu.matmul %get3A_172, %get3A_175, %dot_general3A_176 {dimension_numbers = #tpu.dot_dimension_numbers<[1], [0], [0], [1], [0, 0, 1, 1], [], []>, transpose_lhs_hint = false} : vector<512x64xf32>, vector<64x512xf32>, vector<512x512xf32> -> vector<512x512xf32>
    %ge3A_178 = arith.constant 2.450000e-01 : f32
    %ge3A_179 = vector.broadcast %ge3A_178 : f32 to vector<512x512xf32>
    %ge3A_180 = arith.cmpf oge, %dot_general3A_177, %ge3A_179 : vector<512x512xf32>
    %jit3A_181 = arith.constant 0.670714259 : f32
    %jit3A_182 = arith.constant -0.180714279 : f32
    %broadcast_in_dim3A_183 = vector.broadcast %jit3A_181 : f32 to vector<512x512xf32>
    %broadcast_in_dim3A_184 = vector.broadcast %jit3A_182 : f32 to vector<512x512xf32>
    %select_n3A_185 = arith.select %ge3A_180, %broadcast_in_dim3A_183, %broadcast_in_dim3A_184 : vector<512x512xi1>, vector<512x512xf32>
    %ge3A_186 = arith.cmpf oge, %dot_general3A_177, %select_n3A_185 : vector<512x512xf32>
    %jit3A_187 = arith.constant 0.883571445 : f32
    %jit3A_188 = arith.constant 0.457857132 : f32
    %broadcast_in_dim3A_189 = vector.broadcast %jit3A_187 : f32 to vector<512x512xf32>
    %broadcast_in_dim3A_190 = vector.broadcast %jit3A_188 : f32 to vector<512x512xf32>
    %select_n3A_191 = arith.select %ge3A_186, %broadcast_in_dim3A_189, %broadcast_in_dim3A_190 : vector<512x512xi1>, vector<512x512xf32>
    %jit3A_192 = arith.constant 0.032142859 : f32
    %jit3A_193 = arith.constant -0.393571436 : f32
    %broadcast_in_dim3A_194 = vector.broadcast %jit3A_192 : f32 to vector<512x512xf32>
    %broadcast_in_dim3A_195 = vector.broadcast %jit3A_193 : f32 to vector<512x512xf32>
    %select_n3A_196 = arith.select %ge3A_186, %broadcast_in_dim3A_194, %broadcast_in_dim3A_195 : vector<512x512xi1>, vector<512x512xf32>
    %select_n3A_197 = arith.select %ge3A_180, %select_n3A_191, %select_n3A_196 : vector<512x512xi1>, vector<512x512xf32>
    %ge3A_198 = arith.cmpf oge, %dot_general3A_177, %select_n3A_197 : vector<512x512xf32>
    %jit3A_199 = arith.constant 9.900000e-01 : f32
    %jit3A_200 = arith.constant 0.564285696 : f32
    %broadcast_in_dim3A_201 = vector.broadcast %jit3A_199 : f32 to vector<512x512xf32>
    %broadcast_in_dim3A_202 = vector.broadcast %jit3A_200 : f32 to vector<512x512xf32>
    %select_n3A_203 = arith.select %ge3A_186, %broadcast_in_dim3A_201, %broadcast_in_dim3A_202 : vector<512x512xi1>, vector<512x512xf32>
    %jit3A_204 = arith.constant 0.138571426 : f32
    %jit3A_205 = arith.constant -0.287142843 : f32
    %broadcast_in_dim3A_206 = vector.broadcast %jit3A_204 : f32 to vector<512x512xf32>
    %broadcast_in_dim3A_207 = vector.broadcast %jit3A_205 : f32 to vector<512x512xf32>
    %select_n3A_208 = arith.select %ge3A_186, %broadcast_in_dim3A_206, %broadcast_in_dim3A_207 : vector<512x512xi1>, vector<512x512xf32>
    %select_n3A_209 = arith.select %ge3A_180, %select_n3A_203, %select_n3A_208 : vector<512x512xi1>, vector<512x512xf32>
    %jit3A_210 = arith.constant 0.777142882 : f32
    %jit3A_211 = arith.constant 0.351428568 : f32
    %broadcast_in_dim3A_212 = vector.broadcast %jit3A_210 : f32 to vector<512x512xf32>
    %broadcast_in_dim3A_213 = vector.broadcast %jit3A_211 : f32 to vector<512x512xf32>
    %select_n3A_214 = arith.select %ge3A_186, %broadcast_in_dim3A_212, %broadcast_in_dim3A_213 : vector<512x512xi1>, vector<512x512xf32>
    %jit3A_215 = arith.constant -0.0742857158 : f32
    %jit3A_216 = arith.constant -5.000000e-01 : f32
    %broadcast_in_dim3A_217 = vector.broadcast %jit3A_215 : f32 to vector<512x512xf32>
    %broadcast_in_dim3A_218 = vector.broadcast %jit3A_216 : f32 to vector<512x512xf32>
    %select_n3A_219 = arith.select %ge3A_186, %broadcast_in_dim3A_217, %broadcast_in_dim3A_218 : vector<512x512xi1>, vector<512x512xf32>
    %select_n3A_220 = arith.select %ge3A_180, %select_n3A_214, %select_n3A_219 : vector<512x512xi1>, vector<512x512xf32>
    %select_n3A_221 = arith.select %ge3A_198, %select_n3A_209, %select_n3A_220 : vector<512x512xi1>, vector<512x512xf32>
    %ge3A_222 = arith.cmpf oge, %dot_general3A_177, %select_n3A_221 : vector<512x512xf32>
    %broadcast_in_dim3A_223 = vector.broadcast %add3A_10 : f32 to vector<512x512xf32>
    %broadcast_in_dim3A_224 = vector.broadcast %add3A : f32 to vector<512x512xf32>
    %select_n3A_225 = arith.select %ge3A_222, %broadcast_in_dim3A_223, %broadcast_in_dim3A_224 : vector<512x512xi1>, vector<512x512xf32>
    %broadcast_in_dim3A_226 = vector.broadcast %add3A_20 : f32 to vector<512x512xf32>
    %broadcast_in_dim3A_227 = vector.broadcast %add3A_15 : f32 to vector<512x512xf32>
    %select_n3A_228 = arith.select %ge3A_222, %broadcast_in_dim3A_226, %broadcast_in_dim3A_227 : vector<512x512xi1>, vector<512x512xf32>
    %broadcast_in_dim3A_229 = vector.broadcast %add3A_30 : f32 to vector<512x512xf32>
    %broadcast_in_dim3A_230 = vector.broadcast %add3A_25 : f32 to vector<512x512xf32>
    %select_n3A_231 = arith.select %ge3A_222, %broadcast_in_dim3A_229, %broadcast_in_dim3A_230 : vector<512x512xi1>, vector<512x512xf32>
    %broadcast_in_dim3A_232 = vector.broadcast %add3A_40 : f32 to vector<512x512xf32>
    %broadcast_in_dim3A_233 = vector.broadcast %add3A_35 : f32 to vector<512x512xf32>
    %select_n3A_234 = arith.select %ge3A_222, %broadcast_in_dim3A_232, %broadcast_in_dim3A_233 : vector<512x512xi1>, vector<512x512xf32>
    %broadcast_in_dim3A_235 = vector.broadcast %add3A_50 : f32 to vector<512x512xf32>
    %broadcast_in_dim3A_236 = vector.broadcast %add3A_45 : f32 to vector<512x512xf32>
    %select_n3A_237 = arith.select %ge3A_222, %broadcast_in_dim3A_235, %broadcast_in_dim3A_236 : vector<512x512xi1>, vector<512x512xf32>
    %broadcast_in_dim3A_238 = vector.broadcast %add3A_60 : f32 to vector<512x512xf32>
    %broadcast_in_dim3A_239 = vector.broadcast %add3A_55 : f32 to vector<512x512xf32>
    %select_n3A_240 = arith.select %ge3A_222, %broadcast_in_dim3A_238, %broadcast_in_dim3A_239 : vector<512x512xi1>, vector<512x512xf32>
    %broadcast_in_dim3A_241 = vector.broadcast %add3A_70 : f32 to vector<512x512xf32>
    %broadcast_in_dim3A_242 = vector.broadcast %add3A_65 : f32 to vector<512x512xf32>
    %select_n3A_243 = arith.select %ge3A_222, %broadcast_in_dim3A_241, %broadcast_in_dim3A_242 : vector<512x512xi1>, vector<512x512xf32>
    %broadcast_in_dim3A_244 = vector.broadcast %add3A_80 : f32 to vector<512x512xf32>
    %broadcast_in_dim3A_245 = vector.broadcast %add3A_75 : f32 to vector<512x512xf32>
    %select_n3A_246 = arith.select %ge3A_222, %broadcast_in_dim3A_244, %broadcast_in_dim3A_245 : vector<512x512xi1>, vector<512x512xf32>
    %select_n3A_247 = arith.select %ge3A_198, %select_n3A_228, %select_n3A_225 : vector<512x512xi1>, vector<512x512xf32>
    %select_n3A_248 = arith.select %ge3A_198, %select_n3A_234, %select_n3A_231 : vector<512x512xi1>, vector<512x512xf32>
    %select_n3A_249 = arith.select %ge3A_198, %select_n3A_240, %select_n3A_237 : vector<512x512xi1>, vector<512x512xf32>
    %select_n3A_250 = arith.select %ge3A_198, %select_n3A_246, %select_n3A_243 : vector<512x512xi1>, vector<512x512xf32>
    %select_n3A_251 = arith.select %ge3A_186, %select_n3A_248, %select_n3A_247 : vector<512x512xi1>, vector<512x512xf32>
    %select_n3A_252 = arith.select %ge3A_186, %select_n3A_250, %select_n3A_249 : vector<512x512xi1>, vector<512x512xf32>
    %select_n3A_253 = arith.select %ge3A_180, %select_n3A_252, %select_n3A_251 : vector<512x512xi1>, vector<512x512xf32>
    %dot_general3A_254 = arith.constant dense<0.000000e+00> : vector<1x512xf32>
    %dot_general3A_255 = tpu.matmul %get3A_83, %select_n3A_253, %dot_general3A_254 {dimension_numbers = #tpu.dot_dimension_numbers<[0], [0], [1], [1], [0, 1, 1, 1], [], []>, transpose_lhs_hint = false} : vector<512x1xf32>, vector<512x512xf32>, vector<1x512xf32> -> vector<1x512xf32>
    %get3A_256 = arith.constant 0 : index
    %get3A_257 = arith.constant 512 : index
    %get3A_258 = vector.load %arg5[%get3A_256, %get3A_257] : memref<32x4096xf32, #tpu.memory_space<vmem>>, vector<32x512xf32>
    %dot_general3A_259 = arith.constant dense<0.000000e+00> : vector<1x32xf32>
    %dot_general3A_260 = tpu.matmul %dot_general3A_255, %get3A_258, %dot_general3A_259 {dimension_numbers = #tpu.dot_dimension_numbers<[1], [1], [0], [0], [0, 0, 1, 0], [], []>, transpose_lhs_hint = false} : vector<1x512xf32>, vector<32x512xf32>, vector<1x32xf32> -> vector<1x32xf32>
    %add3A_261 = arith.addf %dot_general3A_169, %dot_general3A_260 : vector<1x32xf32>
    %get3A_262 = arith.constant 0 : index
    %get3A_263 = arith.constant 0 : index
    %get3A_264 = vector.load %arg2[%get3A_262, %get3A_263] : memref<512x128xf32, #tpu.memory_space<vmem>>, vector<512x64xf32>
    %get3A_265 = arith.constant 0 : index
    %get3A_266 = arith.constant 1024 : index
    %get3A_267 = vector.load %arg3[%get3A_265, %get3A_266] : memref<64x4096xf32, #tpu.memory_space<vmem>>, vector<64x512xf32>
    %dot_general3A_268 = arith.constant dense<0.000000e+00> : vector<512x512xf32>
    %dot_general3A_269 = tpu.matmul %get3A_264, %get3A_267, %dot_general3A_268 {dimension_numbers = #tpu.dot_dimension_numbers<[1], [0], [0], [1], [0, 0, 1, 1], [], []>, transpose_lhs_hint = false} : vector<512x64xf32>, vector<64x512xf32>, vector<512x512xf32> -> vector<512x512xf32>
    %ge3A_270 = arith.constant 2.450000e-01 : f32
    %ge3A_271 = vector.broadcast %ge3A_270 : f32 to vector<512x512xf32>
    %ge3A_272 = arith.cmpf oge, %dot_general3A_269, %ge3A_271 : vector<512x512xf32>
    %jit3A_273 = arith.constant 0.670714259 : f32
    %jit3A_274 = arith.constant -0.180714279 : f32
    %broadcast_in_dim3A_275 = vector.broadcast %jit3A_273 : f32 to vector<512x512xf32>
    %broadcast_in_dim3A_276 = vector.broadcast %jit3A_274 : f32 to vector<512x512xf32>
    %select_n3A_277 = arith.select %ge3A_272, %broadcast_in_dim3A_275, %broadcast_in_dim3A_276 : vector<512x512xi1>, vector<512x512xf32>
    %ge3A_278 = arith.cmpf oge, %dot_general3A_269, %select_n3A_277 : vector<512x512xf32>
    %jit3A_279 = arith.constant 0.883571445 : f32
    %jit3A_280 = arith.constant 0.457857132 : f32
    %broadcast_in_dim3A_281 = vector.broadcast %jit3A_279 : f32 to vector<512x512xf32>
    %broadcast_in_dim3A_282 = vector.broadcast %jit3A_280 : f32 to vector<512x512xf32>
    %select_n3A_283 = arith.select %ge3A_278, %broadcast_in_dim3A_281, %broadcast_in_dim3A_282 : vector<512x512xi1>, vector<512x512xf32>
    %jit3A_284 = arith.constant 0.032142859 : f32
    %jit3A_285 = arith.constant -0.393571436 : f32
    %broadcast_in_dim3A_286 = vector.broadcast %jit3A_284 : f32 to vector<512x512xf32>
    %broadcast_in_dim3A_287 = vector.broadcast %jit3A_285 : f32 to vector<512x512xf32>
    %select_n3A_288 = arith.select %ge3A_278, %broadcast_in_dim3A_286, %broadcast_in_dim3A_287 : vector<512x512xi1>, vector<512x512xf32>
    %select_n3A_289 = arith.select %ge3A_272, %select_n3A_283, %select_n3A_288 : vector<512x512xi1>, vector<512x512xf32>
    %ge3A_290 = arith.cmpf oge, %dot_general3A_269, %select_n3A_289 : vector<512x512xf32>
    %jit3A_291 = arith.constant 9.900000e-01 : f32
    %jit3A_292 = arith.constant 0.564285696 : f32
    %broadcast_in_dim3A_293 = vector.broadcast %jit3A_291 : f32 to vector<512x512xf32>
    %broadcast_in_dim3A_294 = vector.broadcast %jit3A_292 : f32 to vector<512x512xf32>
    %select_n3A_295 = arith.select %ge3A_278, %broadcast_in_dim3A_293, %broadcast_in_dim3A_294 : vector<512x512xi1>, vector<512x512xf32>
    %jit3A_296 = arith.constant 0.138571426 : f32
    %jit3A_297 = arith.constant -0.287142843 : f32
    %broadcast_in_dim3A_298 = vector.broadcast %jit3A_296 : f32 to vector<512x512xf32>
    %broadcast_in_dim3A_299 = vector.broadcast %jit3A_297 : f32 to vector<512x512xf32>
    %select_n3A_300 = arith.select %ge3A_278, %broadcast_in_dim3A_298, %broadcast_in_dim3A_299 : vector<512x512xi1>, vector<512x512xf32>
    %select_n3A_301 = arith.select %ge3A_272, %select_n3A_295, %select_n3A_300 : vector<512x512xi1>, vector<512x512xf32>
    %jit3A_302 = arith.constant 0.777142882 : f32
    %jit3A_303 = arith.constant 0.351428568 : f32
    %broadcast_in_dim3A_304 = vector.broadcast %jit3A_302 : f32 to vector<512x512xf32>
    %broadcast_in_dim3A_305 = vector.broadcast %jit3A_303 : f32 to vector<512x512xf32>
    %select_n3A_306 = arith.select %ge3A_278, %broadcast_in_dim3A_304, %broadcast_in_dim3A_305 : vector<512x512xi1>, vector<512x512xf32>
    %jit3A_307 = arith.constant -0.0742857158 : f32
    %jit3A_308 = arith.constant -5.000000e-01 : f32
    %broadcast_in_dim3A_309 = vector.broadcast %jit3A_307 : f32 to vector<512x512xf32>
    %broadcast_in_dim3A_310 = vector.broadcast %jit3A_308 : f32 to vector<512x512xf32>
    %select_n3A_311 = arith.select %ge3A_278, %broadcast_in_dim3A_309, %broadcast_in_dim3A_310 : vector<512x512xi1>, vector<512x512xf32>
    %select_n3A_312 = arith.select %ge3A_272, %select_n3A_306, %select_n3A_311 : vector<512x512xi1>, vector<512x512xf32>
    %select_n3A_313 = arith.select %ge3A_290, %select_n3A_301, %select_n3A_312 : vector<512x512xi1>, vector<512x512xf32>
    %ge3A_314 = arith.cmpf oge, %dot_general3A_269, %select_n3A_313 : vector<512x512xf32>
    %broadcast_in_dim3A_315 = vector.broadcast %add3A_10 : f32 to vector<512x512xf32>
    %broadcast_in_dim3A_316 = vector.broadcast %add3A : f32 to vector<512x512xf32>
    %select_n3A_317 = arith.select %ge3A_314, %broadcast_in_dim3A_315, %broadcast_in_dim3A_316 : vector<512x512xi1>, vector<512x512xf32>
    %broadcast_in_dim3A_318 = vector.broadcast %add3A_20 : f32 to vector<512x512xf32>
    %broadcast_in_dim3A_319 = vector.broadcast %add3A_15 : f32 to vector<512x512xf32>
    %select_n3A_320 = arith.select %ge3A_314, %broadcast_in_dim3A_318, %broadcast_in_dim3A_319 : vector<512x512xi1>, vector<512x512xf32>
    %broadcast_in_dim3A_321 = vector.broadcast %add3A_30 : f32 to vector<512x512xf32>
    %broadcast_in_dim3A_322 = vector.broadcast %add3A_25 : f32 to vector<512x512xf32>
    %select_n3A_323 = arith.select %ge3A_314, %broadcast_in_dim3A_321, %broadcast_in_dim3A_322 : vector<512x512xi1>, vector<512x512xf32>
    %broadcast_in_dim3A_324 = vector.broadcast %add3A_40 : f32 to vector<512x512xf32>
    %broadcast_in_dim3A_325 = vector.broadcast %add3A_35 : f32 to vector<512x512xf32>
    %select_n3A_326 = arith.select %ge3A_314, %broadcast_in_dim3A_324, %broadcast_in_dim3A_325 : vector<512x512xi1>, vector<512x512xf32>
    %broadcast_in_dim3A_327 = vector.broadcast %add3A_50 : f32 to vector<512x512xf32>
    %broadcast_in_dim3A_328 = vector.broadcast %add3A_45 : f32 to vector<512x512xf32>
    %select_n3A_329 = arith.select %ge3A_314, %broadcast_in_dim3A_327, %broadcast_in_dim3A_328 : vector<512x512xi1>, vector<512x512xf32>
    %broadcast_in_dim3A_330 = vector.broadcast %add3A_60 : f32 to vector<512x512xf32>
    %broadcast_in_dim3A_331 = vector.broadcast %add3A_55 : f32 to vector<512x512xf32>
    %select_n3A_332 = arith.select %ge3A_314, %broadcast_in_dim3A_330, %broadcast_in_dim3A_331 : vector<512x512xi1>, vector<512x512xf32>
    %broadcast_in_dim3A_333 = vector.broadcast %add3A_70 : f32 to vector<512x512xf32>
    %broadcast_in_dim3A_334 = vector.broadcast %add3A_65 : f32 to vector<512x512xf32>
    %select_n3A_335 = arith.select %ge3A_314, %broadcast_in_dim3A_333, %broadcast_in_dim3A_334 : vector<512x512xi1>, vector<512x512xf32>
    %broadcast_in_dim3A_336 = vector.broadcast %add3A_80 : f32 to vector<512x512xf32>
    %broadcast_in_dim3A_337 = vector.broadcast %add3A_75 : f32 to vector<512x512xf32>
    %select_n3A_338 = arith.select %ge3A_314, %broadcast_in_dim3A_336, %broadcast_in_dim3A_337 : vector<512x512xi1>, vector<512x512xf32>
    %select_n3A_339 = arith.select %ge3A_290, %select_n3A_320, %select_n3A_317 : vector<512x512xi1>, vector<512x512xf32>
    %select_n3A_340 = arith.select %ge3A_290, %select_n3A_326, %select_n3A_323 : vector<512x512xi1>, vector<512x512xf32>
    %select_n3A_341 = arith.select %ge3A_290, %select_n3A_332, %select_n3A_329 : vector<512x512xi1>, vector<512x512xf32>
    %select_n3A_342 = arith.select %ge3A_290, %select_n3A_338, %select_n3A_335 : vector<512x512xi1>, vector<512x512xf32>
    %select_n3A_343 = arith.select %ge3A_278, %select_n3A_340, %select_n3A_339 : vector<512x512xi1>, vector<512x512xf32>
    %select_n3A_344 = arith.select %ge3A_278, %select_n3A_342, %select_n3A_341 : vector<512x512xi1>, vector<512x512xf32>
    %select_n3A_345 = arith.select %ge3A_272, %select_n3A_344, %select_n3A_343 : vector<512x512xi1>, vector<512x512xf32>
    %dot_general3A_346 = arith.constant dense<0.000000e+00> : vector<1x512xf32>
    %dot_general3A_347 = tpu.matmul %get3A_83, %select_n3A_345, %dot_general3A_346 {dimension_numbers = #tpu.dot_dimension_numbers<[0], [0], [1], [1], [0, 1, 1, 1], [], []>, transpose_lhs_hint = false} : vector<512x1xf32>, vector<512x512xf32>, vector<1x512xf32> -> vector<1x512xf32>
    %get3A_348 = arith.constant 0 : index
    %get3A_349 = arith.constant 1024 : index
    %get3A_350 = vector.load %arg5[%get3A_348, %get3A_349] : memref<32x4096xf32, #tpu.memory_space<vmem>>, vector<32x512xf32>
    %dot_general3A_351 = arith.constant dense<0.000000e+00> : vector<1x32xf32>
    %dot_general3A_352 = tpu.matmul %dot_general3A_347, %get3A_350, %dot_general3A_351 {dimension_numbers = #tpu.dot_dimension_numbers<[1], [1], [0], [0], [0, 0, 1, 0], [], []>, transpose_lhs_hint = false} : vector<1x512xf32>, vector<32x512xf32>, vector<1x32xf32> -> vector<1x32xf32>
    %add3A_353 = arith.addf %add3A_261, %dot_general3A_352 : vector<1x32xf32>
    %get3A_354 = arith.constant 0 : index
    %get3A_355 = arith.constant 0 : index
    %get3A_356 = vector.load %arg2[%get3A_354, %get3A_355] : memref<512x128xf32, #tpu.memory_space<vmem>>, vector<512x64xf32>
    %get3A_357 = arith.constant 0 : index
    %get3A_358 = arith.constant 1536 : index
    %get3A_359 = vector.load %arg3[%get3A_357, %get3A_358] : memref<64x4096xf32, #tpu.memory_space<vmem>>, vector<64x512xf32>
    %dot_general3A_360 = arith.constant dense<0.000000e+00> : vector<512x512xf32>
    %dot_general3A_361 = tpu.matmul %get3A_356, %get3A_359, %dot_general3A_360 {dimension_numbers = #tpu.dot_dimension_numbers<[1], [0], [0], [1], [0, 0, 1, 1], [], []>, transpose_lhs_hint = false} : vector<512x64xf32>, vector<64x512xf32>, vector<512x512xf32> -> vector<512x512xf32>
    %ge3A_362 = arith.constant 2.450000e-01 : f32
    %ge3A_363 = vector.broadcast %ge3A_362 : f32 to vector<512x512xf32>
    %ge3A_364 = arith.cmpf oge, %dot_general3A_361, %ge3A_363 : vector<512x512xf32>
    %jit3A_365 = arith.constant 0.670714259 : f32
    %jit3A_366 = arith.constant -0.180714279 : f32
    %broadcast_in_dim3A_367 = vector.broadcast %jit3A_365 : f32 to vector<512x512xf32>
    %broadcast_in_dim3A_368 = vector.broadcast %jit3A_366 : f32 to vector<512x512xf32>
    %select_n3A_369 = arith.select %ge3A_364, %broadcast_in_dim3A_367, %broadcast_in_dim3A_368 : vector<512x512xi1>, vector<512x512xf32>
    %ge3A_370 = arith.cmpf oge, %dot_general3A_361, %select_n3A_369 : vector<512x512xf32>
    %jit3A_371 = arith.constant 0.883571445 : f32
    %jit3A_372 = arith.constant 0.457857132 : f32
    %broadcast_in_dim3A_373 = vector.broadcast %jit3A_371 : f32 to vector<512x512xf32>
    %broadcast_in_dim3A_374 = vector.broadcast %jit3A_372 : f32 to vector<512x512xf32>
    %select_n3A_375 = arith.select %ge3A_370, %broadcast_in_dim3A_373, %broadcast_in_dim3A_374 : vector<512x512xi1>, vector<512x512xf32>
    %jit3A_376 = arith.constant 0.032142859 : f32
    %jit3A_377 = arith.constant -0.393571436 : f32
    %broadcast_in_dim3A_378 = vector.broadcast %jit3A_376 : f32 to vector<512x512xf32>
    %broadcast_in_dim3A_379 = vector.broadcast %jit3A_377 : f32 to vector<512x512xf32>
    %select_n3A_380 = arith.select %ge3A_370, %broadcast_in_dim3A_378, %broadcast_in_dim3A_379 : vector<512x512xi1>, vector<512x512xf32>
    %select_n3A_381 = arith.select %ge3A_364, %select_n3A_375, %select_n3A_380 : vector<512x512xi1>, vector<512x512xf32>
    %ge3A_382 = arith.cmpf oge, %dot_general3A_361, %select_n3A_381 : vector<512x512xf32>
    %jit3A_383 = arith.constant 9.900000e-01 : f32
    %jit3A_384 = arith.constant 0.564285696 : f32
    %broadcast_in_dim3A_385 = vector.broadcast %jit3A_383 : f32 to vector<512x512xf32>
    %broadcast_in_dim3A_386 = vector.broadcast %jit3A_384 : f32 to vector<512x512xf32>
    %select_n3A_387 = arith.select %ge3A_370, %broadcast_in_dim3A_385, %broadcast_in_dim3A_386 : vector<512x512xi1>, vector<512x512xf32>
    %jit3A_388 = arith.constant 0.138571426 : f32
    %jit3A_389 = arith.constant -0.287142843 : f32
    %broadcast_in_dim3A_390 = vector.broadcast %jit3A_388 : f32 to vector<512x512xf32>
    %broadcast_in_dim3A_391 = vector.broadcast %jit3A_389 : f32 to vector<512x512xf32>
    %select_n3A_392 = arith.select %ge3A_370, %broadcast_in_dim3A_390, %broadcast_in_dim3A_391 : vector<512x512xi1>, vector<512x512xf32>
    %select_n3A_393 = arith.select %ge3A_364, %select_n3A_387, %select_n3A_392 : vector<512x512xi1>, vector<512x512xf32>
    %jit3A_394 = arith.constant 0.777142882 : f32
    %jit3A_395 = arith.constant 0.351428568 : f32
    %broadcast_in_dim3A_396 = vector.broadcast %jit3A_394 : f32 to vector<512x512xf32>
    %broadcast_in_dim3A_397 = vector.broadcast %jit3A_395 : f32 to vector<512x512xf32>
    %select_n3A_398 = arith.select %ge3A_370, %broadcast_in_dim3A_396, %broadcast_in_dim3A_397 : vector<512x512xi1>, vector<512x512xf32>
    %jit3A_399 = arith.constant -0.0742857158 : f32
    %jit3A_400 = arith.constant -5.000000e-01 : f32
    %broadcast_in_dim3A_401 = vector.broadcast %jit3A_399 : f32 to vector<512x512xf32>
    %broadcast_in_dim3A_402 = vector.broadcast %jit3A_400 : f32 to vector<512x512xf32>
    %select_n3A_403 = arith.select %ge3A_370, %broadcast_in_dim3A_401, %broadcast_in_dim3A_402 : vector<512x512xi1>, vector<512x512xf32>
    %select_n3A_404 = arith.select %ge3A_364, %select_n3A_398, %select_n3A_403 : vector<512x512xi1>, vector<512x512xf32>
    %select_n3A_405 = arith.select %ge3A_382, %select_n3A_393, %select_n3A_404 : vector<512x512xi1>, vector<512x512xf32>
    %ge3A_406 = arith.cmpf oge, %dot_general3A_361, %select_n3A_405 : vector<512x512xf32>
    %broadcast_in_dim3A_407 = vector.broadcast %add3A_10 : f32 to vector<512x512xf32>
    %broadcast_in_dim3A_408 = vector.broadcast %add3A : f32 to vector<512x512xf32>
    %select_n3A_409 = arith.select %ge3A_406, %broadcast_in_dim3A_407, %broadcast_in_dim3A_408 : vector<512x512xi1>, vector<512x512xf32>
    %broadcast_in_dim3A_410 = vector.broadcast %add3A_20 : f32 to vector<512x512xf32>
    %broadcast_in_dim3A_411 = vector.broadcast %add3A_15 : f32 to vector<512x512xf32>
    %select_n3A_412 = arith.select %ge3A_406, %broadcast_in_dim3A_410, %broadcast_in_dim3A_411 : vector<512x512xi1>, vector<512x512xf32>
    %broadcast_in_dim3A_413 = vector.broadcast %add3A_30 : f32 to vector<512x512xf32>
    %broadcast_in_dim3A_414 = vector.broadcast %add3A_25 : f32 to vector<512x512xf32>
    %select_n3A_415 = arith.select %ge3A_406, %broadcast_in_dim3A_413, %broadcast_in_dim3A_414 : vector<512x512xi1>, vector<512x512xf32>
    %broadcast_in_dim3A_416 = vector.broadcast %add3A_40 : f32 to vector<512x512xf32>
    %broadcast_in_dim3A_417 = vector.broadcast %add3A_35 : f32 to vector<512x512xf32>
    %select_n3A_418 = arith.select %ge3A_406, %broadcast_in_dim3A_416, %broadcast_in_dim3A_417 : vector<512x512xi1>, vector<512x512xf32>
    %broadcast_in_dim3A_419 = vector.broadcast %add3A_50 : f32 to vector<512x512xf32>
    %broadcast_in_dim3A_420 = vector.broadcast %add3A_45 : f32 to vector<512x512xf32>
    %select_n3A_421 = arith.select %ge3A_406, %broadcast_in_dim3A_419, %broadcast_in_dim3A_420 : vector<512x512xi1>, vector<512x512xf32>
    %broadcast_in_dim3A_422 = vector.broadcast %add3A_60 : f32 to vector<512x512xf32>
    %broadcast_in_dim3A_423 = vector.broadcast %add3A_55 : f32 to vector<512x512xf32>
    %select_n3A_424 = arith.select %ge3A_406, %broadcast_in_dim3A_422, %broadcast_in_dim3A_423 : vector<512x512xi1>, vector<512x512xf32>
    %broadcast_in_dim3A_425 = vector.broadcast %add3A_70 : f32 to vector<512x512xf32>
    %broadcast_in_dim3A_426 = vector.broadcast %add3A_65 : f32 to vector<512x512xf32>
    %select_n3A_427 = arith.select %ge3A_406, %broadcast_in_dim3A_425, %broadcast_in_dim3A_426 : vector<512x512xi1>, vector<512x512xf32>
    %broadcast_in_dim3A_428 = vector.broadcast %add3A_80 : f32 to vector<512x512xf32>
    %broadcast_in_dim3A_429 = vector.broadcast %add3A_75 : f32 to vector<512x512xf32>
    %select_n3A_430 = arith.select %ge3A_406, %broadcast_in_dim3A_428, %broadcast_in_dim3A_429 : vector<512x512xi1>, vector<512x512xf32>
    %select_n3A_431 = arith.select %ge3A_382, %select_n3A_412, %select_n3A_409 : vector<512x512xi1>, vector<512x512xf32>
    %select_n3A_432 = arith.select %ge3A_382, %select_n3A_418, %select_n3A_415 : vector<512x512xi1>, vector<512x512xf32>
    %select_n3A_433 = arith.select %ge3A_382, %select_n3A_424, %select_n3A_421 : vector<512x512xi1>, vector<512x512xf32>
    %select_n3A_434 = arith.select %ge3A_382, %select_n3A_430, %select_n3A_427 : vector<512x512xi1>, vector<512x512xf32>
    %select_n3A_435 = arith.select %ge3A_370, %select_n3A_432, %select_n3A_431 : vector<512x512xi1>, vector<512x512xf32>
    %select_n3A_436 = arith.select %ge3A_370, %select_n3A_434, %select_n3A_433 : vector<512x512xi1>, vector<512x512xf32>
    %select_n3A_437 = arith.select %ge3A_364, %select_n3A_436, %select_n3A_435 : vector<512x512xi1>, vector<512x512xf32>
    %dot_general3A_438 = arith.constant dense<0.000000e+00> : vector<1x512xf32>
    %dot_general3A_439 = tpu.matmul %get3A_83, %select_n3A_437, %dot_general3A_438 {dimension_numbers = #tpu.dot_dimension_numbers<[0], [0], [1], [1], [0, 1, 1, 1], [], []>, transpose_lhs_hint = false} : vector<512x1xf32>, vector<512x512xf32>, vector<1x512xf32> -> vector<1x512xf32>
    %get3A_440 = arith.constant 0 : index
    %get3A_441 = arith.constant 1536 : index
    %get3A_442 = vector.load %arg5[%get3A_440, %get3A_441] : memref<32x4096xf32, #tpu.memory_space<vmem>>, vector<32x512xf32>
    %dot_general3A_443 = arith.constant dense<0.000000e+00> : vector<1x32xf32>
    %dot_general3A_444 = tpu.matmul %dot_general3A_439, %get3A_442, %dot_general3A_443 {dimension_numbers = #tpu.dot_dimension_numbers<[1], [1], [0], [0], [0, 0, 1, 0], [], []>, transpose_lhs_hint = false} : vector<1x512xf32>, vector<32x512xf32>, vector<1x32xf32> -> vector<1x32xf32>
    %add3A_445 = arith.addf %add3A_353, %dot_general3A_444 : vector<1x32xf32>
    %get3A_446 = arith.constant 0 : index
    %get3A_447 = arith.constant 0 : index
    %get3A_448 = vector.load %arg2[%get3A_446, %get3A_447] : memref<512x128xf32, #tpu.memory_space<vmem>>, vector<512x64xf32>
    %get3A_449 = arith.constant 0 : index
    %get3A_450 = arith.constant 2048 : index
    %get3A_451 = vector.load %arg3[%get3A_449, %get3A_450] : memref<64x4096xf32, #tpu.memory_space<vmem>>, vector<64x512xf32>
    %dot_general3A_452 = arith.constant dense<0.000000e+00> : vector<512x512xf32>
    %dot_general3A_453 = tpu.matmul %get3A_448, %get3A_451, %dot_general3A_452 {dimension_numbers = #tpu.dot_dimension_numbers<[1], [0], [0], [1], [0, 0, 1, 1], [], []>, transpose_lhs_hint = false} : vector<512x64xf32>, vector<64x512xf32>, vector<512x512xf32> -> vector<512x512xf32>
    %ge3A_454 = arith.constant 2.450000e-01 : f32
    %ge3A_455 = vector.broadcast %ge3A_454 : f32 to vector<512x512xf32>
    %ge3A_456 = arith.cmpf oge, %dot_general3A_453, %ge3A_455 : vector<512x512xf32>
    %jit3A_457 = arith.constant 0.670714259 : f32
    %jit3A_458 = arith.constant -0.180714279 : f32
    %broadcast_in_dim3A_459 = vector.broadcast %jit3A_457 : f32 to vector<512x512xf32>
    %broadcast_in_dim3A_460 = vector.broadcast %jit3A_458 : f32 to vector<512x512xf32>
    %select_n3A_461 = arith.select %ge3A_456, %broadcast_in_dim3A_459, %broadcast_in_dim3A_460 : vector<512x512xi1>, vector<512x512xf32>
    %ge3A_462 = arith.cmpf oge, %dot_general3A_453, %select_n3A_461 : vector<512x512xf32>
    %jit3A_463 = arith.constant 0.883571445 : f32
    %jit3A_464 = arith.constant 0.457857132 : f32
    %broadcast_in_dim3A_465 = vector.broadcast %jit3A_463 : f32 to vector<512x512xf32>
    %broadcast_in_dim3A_466 = vector.broadcast %jit3A_464 : f32 to vector<512x512xf32>
    %select_n3A_467 = arith.select %ge3A_462, %broadcast_in_dim3A_465, %broadcast_in_dim3A_466 : vector<512x512xi1>, vector<512x512xf32>
    %jit3A_468 = arith.constant 0.032142859 : f32
    %jit3A_469 = arith.constant -0.393571436 : f32
    %broadcast_in_dim3A_470 = vector.broadcast %jit3A_468 : f32 to vector<512x512xf32>
    %broadcast_in_dim3A_471 = vector.broadcast %jit3A_469 : f32 to vector<512x512xf32>
    %select_n3A_472 = arith.select %ge3A_462, %broadcast_in_dim3A_470, %broadcast_in_dim3A_471 : vector<512x512xi1>, vector<512x512xf32>
    %select_n3A_473 = arith.select %ge3A_456, %select_n3A_467, %select_n3A_472 : vector<512x512xi1>, vector<512x512xf32>
    %ge3A_474 = arith.cmpf oge, %dot_general3A_453, %select_n3A_473 : vector<512x512xf32>
    %jit3A_475 = arith.constant 9.900000e-01 : f32
    %jit3A_476 = arith.constant 0.564285696 : f32
    %broadcast_in_dim3A_477 = vector.broadcast %jit3A_475 : f32 to vector<512x512xf32>
    %broadcast_in_dim3A_478 = vector.broadcast %jit3A_476 : f32 to vector<512x512xf32>
    %select_n3A_479 = arith.select %ge3A_462, %broadcast_in_dim3A_477, %broadcast_in_dim3A_478 : vector<512x512xi1>, vector<512x512xf32>
    %jit3A_480 = arith.constant 0.138571426 : f32
    %jit3A_481 = arith.constant -0.287142843 : f32
    %broadcast_in_dim3A_482 = vector.broadcast %jit3A_480 : f32 to vector<512x512xf32>
    %broadcast_in_dim3A_483 = vector.broadcast %jit3A_481 : f32 to vector<512x512xf32>
    %select_n3A_484 = arith.select %ge3A_462, %broadcast_in_dim3A_482, %broadcast_in_dim3A_483 : vector<512x512xi1>, vector<512x512xf32>
    %select_n3A_485 = arith.select %ge3A_456, %select_n3A_479, %select_n3A_484 : vector<512x512xi1>, vector<512x512xf32>
    %jit3A_486 = arith.constant 0.777142882 : f32
    %jit3A_487 = arith.constant 0.351428568 : f32
    %broadcast_in_dim3A_488 = vector.broadcast %jit3A_486 : f32 to vector<512x512xf32>
    %broadcast_in_dim3A_489 = vector.broadcast %jit3A_487 : f32 to vector<512x512xf32>
    %select_n3A_490 = arith.select %ge3A_462, %broadcast_in_dim3A_488, %broadcast_in_dim3A_489 : vector<512x512xi1>, vector<512x512xf32>
    %jit3A_491 = arith.constant -0.0742857158 : f32
    %jit3A_492 = arith.constant -5.000000e-01 : f32
    %broadcast_in_dim3A_493 = vector.broadcast %jit3A_491 : f32 to vector<512x512xf32>
    %broadcast_in_dim3A_494 = vector.broadcast %jit3A_492 : f32 to vector<512x512xf32>
    %select_n3A_495 = arith.select %ge3A_462, %broadcast_in_dim3A_493, %broadcast_in_dim3A_494 : vector<512x512xi1>, vector<512x512xf32>
    %select_n3A_496 = arith.select %ge3A_456, %select_n3A_490, %select_n3A_495 : vector<512x512xi1>, vector<512x512xf32>
    %select_n3A_497 = arith.select %ge3A_474, %select_n3A_485, %select_n3A_496 : vector<512x512xi1>, vector<512x512xf32>
    %ge3A_498 = arith.cmpf oge, %dot_general3A_453, %select_n3A_497 : vector<512x512xf32>
    %broadcast_in_dim3A_499 = vector.broadcast %add3A_10 : f32 to vector<512x512xf32>
    %broadcast_in_dim3A_500 = vector.broadcast %add3A : f32 to vector<512x512xf32>
    %select_n3A_501 = arith.select %ge3A_498, %broadcast_in_dim3A_499, %broadcast_in_dim3A_500 : vector<512x512xi1>, vector<512x512xf32>
    %broadcast_in_dim3A_502 = vector.broadcast %add3A_20 : f32 to vector<512x512xf32>
    %broadcast_in_dim3A_503 = vector.broadcast %add3A_15 : f32 to vector<512x512xf32>
    %select_n3A_504 = arith.select %ge3A_498, %broadcast_in_dim3A_502, %broadcast_in_dim3A_503 : vector<512x512xi1>, vector<512x512xf32>
    %broadcast_in_dim3A_505 = vector.broadcast %add3A_30 : f32 to vector<512x512xf32>
    %broadcast_in_dim3A_506 = vector.broadcast %add3A_25 : f32 to vector<512x512xf32>
    %select_n3A_507 = arith.select %ge3A_498, %broadcast_in_dim3A_505, %broadcast_in_dim3A_506 : vector<512x512xi1>, vector<512x512xf32>
    %broadcast_in_dim3A_508 = vector.broadcast %add3A_40 : f32 to vector<512x512xf32>
    %broadcast_in_dim3A_509 = vector.broadcast %add3A_35 : f32 to vector<512x512xf32>
    %select_n3A_510 = arith.select %ge3A_498, %broadcast_in_dim3A_508, %broadcast_in_dim3A_509 : vector<512x512xi1>, vector<512x512xf32>
    %broadcast_in_dim3A_511 = vector.broadcast %add3A_50 : f32 to vector<512x512xf32>
    %broadcast_in_dim3A_512 = vector.broadcast %add3A_45 : f32 to vector<512x512xf32>
    %select_n3A_513 = arith.select %ge3A_498, %broadcast_in_dim3A_511, %broadcast_in_dim3A_512 : vector<512x512xi1>, vector<512x512xf32>
    %broadcast_in_dim3A_514 = vector.broadcast %add3A_60 : f32 to vector<512x512xf32>
    %broadcast_in_dim3A_515 = vector.broadcast %add3A_55 : f32 to vector<512x512xf32>
    %select_n3A_516 = arith.select %ge3A_498, %broadcast_in_dim3A_514, %broadcast_in_dim3A_515 : vector<512x512xi1>, vector<512x512xf32>
    %broadcast_in_dim3A_517 = vector.broadcast %add3A_70 : f32 to vector<512x512xf32>
    %broadcast_in_dim3A_518 = vector.broadcast %add3A_65 : f32 to vector<512x512xf32>
    %select_n3A_519 = arith.select %ge3A_498, %broadcast_in_dim3A_517, %broadcast_in_dim3A_518 : vector<512x512xi1>, vector<512x512xf32>
    %broadcast_in_dim3A_520 = vector.broadcast %add3A_80 : f32 to vector<512x512xf32>
    %broadcast_in_dim3A_521 = vector.broadcast %add3A_75 : f32 to vector<512x512xf32>
    %select_n3A_522 = arith.select %ge3A_498, %broadcast_in_dim3A_520, %broadcast_in_dim3A_521 : vector<512x512xi1>, vector<512x512xf32>
    %select_n3A_523 = arith.select %ge3A_474, %select_n3A_504, %select_n3A_501 : vector<512x512xi1>, vector<512x512xf32>
    %select_n3A_524 = arith.select %ge3A_474, %select_n3A_510, %select_n3A_507 : vector<512x512xi1>, vector<512x512xf32>
    %select_n3A_525 = arith.select %ge3A_474, %select_n3A_516, %select_n3A_513 : vector<512x512xi1>, vector<512x512xf32>
    %select_n3A_526 = arith.select %ge3A_474, %select_n3A_522, %select_n3A_519 : vector<512x512xi1>, vector<512x512xf32>
    %select_n3A_527 = arith.select %ge3A_462, %select_n3A_524, %select_n3A_523 : vector<512x512xi1>, vector<512x512xf32>
    %select_n3A_528 = arith.select %ge3A_462, %select_n3A_526, %select_n3A_525 : vector<512x512xi1>, vector<512x512xf32>
    %select_n3A_529 = arith.select %ge3A_456, %select_n3A_528, %select_n3A_527 : vector<512x512xi1>, vector<512x512xf32>
    %dot_general3A_530 = arith.constant dense<0.000000e+00> : vector<1x512xf32>
    %dot_general3A_531 = tpu.matmul %get3A_83, %select_n3A_529, %dot_general3A_530 {dimension_numbers = #tpu.dot_dimension_numbers<[0], [0], [1], [1], [0, 1, 1, 1], [], []>, transpose_lhs_hint = false} : vector<512x1xf32>, vector<512x512xf32>, vector<1x512xf32> -> vector<1x512xf32>
    %get3A_532 = arith.constant 0 : index
    %get3A_533 = arith.constant 2048 : index
    %get3A_534 = vector.load %arg5[%get3A_532, %get3A_533] : memref<32x4096xf32, #tpu.memory_space<vmem>>, vector<32x512xf32>
    %dot_general3A_535 = arith.constant dense<0.000000e+00> : vector<1x32xf32>
    %dot_general3A_536 = tpu.matmul %dot_general3A_531, %get3A_534, %dot_general3A_535 {dimension_numbers = #tpu.dot_dimension_numbers<[1], [1], [0], [0], [0, 0, 1, 0], [], []>, transpose_lhs_hint = false} : vector<1x512xf32>, vector<32x512xf32>, vector<1x32xf32> -> vector<1x32xf32>
    %add3A_537 = arith.addf %add3A_445, %dot_general3A_536 : vector<1x32xf32>
    %get3A_538 = arith.constant 0 : index
    %get3A_539 = arith.constant 0 : index
    %get3A_540 = vector.load %arg2[%get3A_538, %get3A_539] : memref<512x128xf32, #tpu.memory_space<vmem>>, vector<512x64xf32>
    %get3A_541 = arith.constant 0 : index
    %get3A_542 = arith.constant 2560 : index
    %get3A_543 = vector.load %arg3[%get3A_541, %get3A_542] : memref<64x4096xf32, #tpu.memory_space<vmem>>, vector<64x512xf32>
    %dot_general3A_544 = arith.constant dense<0.000000e+00> : vector<512x512xf32>
    %dot_general3A_545 = tpu.matmul %get3A_540, %get3A_543, %dot_general3A_544 {dimension_numbers = #tpu.dot_dimension_numbers<[1], [0], [0], [1], [0, 0, 1, 1], [], []>, transpose_lhs_hint = false} : vector<512x64xf32>, vector<64x512xf32>, vector<512x512xf32> -> vector<512x512xf32>
    %ge3A_546 = arith.constant 2.450000e-01 : f32
    %ge3A_547 = vector.broadcast %ge3A_546 : f32 to vector<512x512xf32>
    %ge3A_548 = arith.cmpf oge, %dot_general3A_545, %ge3A_547 : vector<512x512xf32>
    %jit3A_549 = arith.constant 0.670714259 : f32
    %jit3A_550 = arith.constant -0.180714279 : f32
    %broadcast_in_dim3A_551 = vector.broadcast %jit3A_549 : f32 to vector<512x512xf32>
    %broadcast_in_dim3A_552 = vector.broadcast %jit3A_550 : f32 to vector<512x512xf32>
    %select_n3A_553 = arith.select %ge3A_548, %broadcast_in_dim3A_551, %broadcast_in_dim3A_552 : vector<512x512xi1>, vector<512x512xf32>
    %ge3A_554 = arith.cmpf oge, %dot_general3A_545, %select_n3A_553 : vector<512x512xf32>
    %jit3A_555 = arith.constant 0.883571445 : f32
    %jit3A_556 = arith.constant 0.457857132 : f32
    %broadcast_in_dim3A_557 = vector.broadcast %jit3A_555 : f32 to vector<512x512xf32>
    %broadcast_in_dim3A_558 = vector.broadcast %jit3A_556 : f32 to vector<512x512xf32>
    %select_n3A_559 = arith.select %ge3A_554, %broadcast_in_dim3A_557, %broadcast_in_dim3A_558 : vector<512x512xi1>, vector<512x512xf32>
    %jit3A_560 = arith.constant 0.032142859 : f32
    %jit3A_561 = arith.constant -0.393571436 : f32
    %broadcast_in_dim3A_562 = vector.broadcast %jit3A_560 : f32 to vector<512x512xf32>
    %broadcast_in_dim3A_563 = vector.broadcast %jit3A_561 : f32 to vector<512x512xf32>
    %select_n3A_564 = arith.select %ge3A_554, %broadcast_in_dim3A_562, %broadcast_in_dim3A_563 : vector<512x512xi1>, vector<512x512xf32>
    %select_n3A_565 = arith.select %ge3A_548, %select_n3A_559, %select_n3A_564 : vector<512x512xi1>, vector<512x512xf32>
    %ge3A_566 = arith.cmpf oge, %dot_general3A_545, %select_n3A_565 : vector<512x512xf32>
    %jit3A_567 = arith.constant 9.900000e-01 : f32
    %jit3A_568 = arith.constant 0.564285696 : f32
    %broadcast_in_dim3A_569 = vector.broadcast %jit3A_567 : f32 to vector<512x512xf32>
    %broadcast_in_dim3A_570 = vector.broadcast %jit3A_568 : f32 to vector<512x512xf32>
    %select_n3A_571 = arith.select %ge3A_554, %broadcast_in_dim3A_569, %broadcast_in_dim3A_570 : vector<512x512xi1>, vector<512x512xf32>
    %jit3A_572 = arith.constant 0.138571426 : f32
    %jit3A_573 = arith.constant -0.287142843 : f32
    %broadcast_in_dim3A_574 = vector.broadcast %jit3A_572 : f32 to vector<512x512xf32>
    %broadcast_in_dim3A_575 = vector.broadcast %jit3A_573 : f32 to vector<512x512xf32>
    %select_n3A_576 = arith.select %ge3A_554, %broadcast_in_dim3A_574, %broadcast_in_dim3A_575 : vector<512x512xi1>, vector<512x512xf32>
    %select_n3A_577 = arith.select %ge3A_548, %select_n3A_571, %select_n3A_576 : vector<512x512xi1>, vector<512x512xf32>
    %jit3A_578 = arith.constant 0.777142882 : f32
    %jit3A_579 = arith.constant 0.351428568 : f32
    %broadcast_in_dim3A_580 = vector.broadcast %jit3A_578 : f32 to vector<512x512xf32>
    %broadcast_in_dim3A_581 = vector.broadcast %jit3A_579 : f32 to vector<512x512xf32>
    %select_n3A_582 = arith.select %ge3A_554, %broadcast_in_dim3A_580, %broadcast_in_dim3A_581 : vector<512x512xi1>, vector<512x512xf32>
    %jit3A_583 = arith.constant -0.0742857158 : f32
    %jit3A_584 = arith.constant -5.000000e-01 : f32
    %broadcast_in_dim3A_585 = vector.broadcast %jit3A_583 : f32 to vector<512x512xf32>
    %broadcast_in_dim3A_586 = vector.broadcast %jit3A_584 : f32 to vector<512x512xf32>
    %select_n3A_587 = arith.select %ge3A_554, %broadcast_in_dim3A_585, %broadcast_in_dim3A_586 : vector<512x512xi1>, vector<512x512xf32>
    %select_n3A_588 = arith.select %ge3A_548, %select_n3A_582, %select_n3A_587 : vector<512x512xi1>, vector<512x512xf32>
    %select_n3A_589 = arith.select %ge3A_566, %select_n3A_577, %select_n3A_588 : vector<512x512xi1>, vector<512x512xf32>
    %ge3A_590 = arith.cmpf oge, %dot_general3A_545, %select_n3A_589 : vector<512x512xf32>
    %broadcast_in_dim3A_591 = vector.broadcast %add3A_10 : f32 to vector<512x512xf32>
    %broadcast_in_dim3A_592 = vector.broadcast %add3A : f32 to vector<512x512xf32>
    %select_n3A_593 = arith.select %ge3A_590, %broadcast_in_dim3A_591, %broadcast_in_dim3A_592 : vector<512x512xi1>, vector<512x512xf32>
    %broadcast_in_dim3A_594 = vector.broadcast %add3A_20 : f32 to vector<512x512xf32>
    %broadcast_in_dim3A_595 = vector.broadcast %add3A_15 : f32 to vector<512x512xf32>
    %select_n3A_596 = arith.select %ge3A_590, %broadcast_in_dim3A_594, %broadcast_in_dim3A_595 : vector<512x512xi1>, vector<512x512xf32>
    %broadcast_in_dim3A_597 = vector.broadcast %add3A_30 : f32 to vector<512x512xf32>
    %broadcast_in_dim3A_598 = vector.broadcast %add3A_25 : f32 to vector<512x512xf32>
    %select_n3A_599 = arith.select %ge3A_590, %broadcast_in_dim3A_597, %broadcast_in_dim3A_598 : vector<512x512xi1>, vector<512x512xf32>
    %broadcast_in_dim3A_600 = vector.broadcast %add3A_40 : f32 to vector<512x512xf32>
    %broadcast_in_dim3A_601 = vector.broadcast %add3A_35 : f32 to vector<512x512xf32>
    %select_n3A_602 = arith.select %ge3A_590, %broadcast_in_dim3A_600, %broadcast_in_dim3A_601 : vector<512x512xi1>, vector<512x512xf32>
    %broadcast_in_dim3A_603 = vector.broadcast %add3A_50 : f32 to vector<512x512xf32>
    %broadcast_in_dim3A_604 = vector.broadcast %add3A_45 : f32 to vector<512x512xf32>
    %select_n3A_605 = arith.select %ge3A_590, %broadcast_in_dim3A_603, %broadcast_in_dim3A_604 : vector<512x512xi1>, vector<512x512xf32>
    %broadcast_in_dim3A_606 = vector.broadcast %add3A_60 : f32 to vector<512x512xf32>
    %broadcast_in_dim3A_607 = vector.broadcast %add3A_55 : f32 to vector<512x512xf32>
    %select_n3A_608 = arith.select %ge3A_590, %broadcast_in_dim3A_606, %broadcast_in_dim3A_607 : vector<512x512xi1>, vector<512x512xf32>
    %broadcast_in_dim3A_609 = vector.broadcast %add3A_70 : f32 to vector<512x512xf32>
    %broadcast_in_dim3A_610 = vector.broadcast %add3A_65 : f32 to vector<512x512xf32>
    %select_n3A_611 = arith.select %ge3A_590, %broadcast_in_dim3A_609, %broadcast_in_dim3A_610 : vector<512x512xi1>, vector<512x512xf32>
    %broadcast_in_dim3A_612 = vector.broadcast %add3A_80 : f32 to vector<512x512xf32>
    %broadcast_in_dim3A_613 = vector.broadcast %add3A_75 : f32 to vector<512x512xf32>
    %select_n3A_614 = arith.select %ge3A_590, %broadcast_in_dim3A_612, %broadcast_in_dim3A_613 : vector<512x512xi1>, vector<512x512xf32>
    %select_n3A_615 = arith.select %ge3A_566, %select_n3A_596, %select_n3A_593 : vector<512x512xi1>, vector<512x512xf32>
    %select_n3A_616 = arith.select %ge3A_566, %select_n3A_602, %select_n3A_599 : vector<512x512xi1>, vector<512x512xf32>
    %select_n3A_617 = arith.select %ge3A_566, %select_n3A_608, %select_n3A_605 : vector<512x512xi1>, vector<512x512xf32>
    %select_n3A_618 = arith.select %ge3A_566, %select_n3A_614, %select_n3A_611 : vector<512x512xi1>, vector<512x512xf32>
    %select_n3A_619 = arith.select %ge3A_554, %select_n3A_616, %select_n3A_615 : vector<512x512xi1>, vector<512x512xf32>
    %select_n3A_620 = arith.select %ge3A_554, %select_n3A_618, %select_n3A_617 : vector<512x512xi1>, vector<512x512xf32>
    %select_n3A_621 = arith.select %ge3A_548, %select_n3A_620, %select_n3A_619 : vector<512x512xi1>, vector<512x512xf32>
    %dot_general3A_622 = arith.constant dense<0.000000e+00> : vector<1x512xf32>
    %dot_general3A_623 = tpu.matmul %get3A_83, %select_n3A_621, %dot_general3A_622 {dimension_numbers = #tpu.dot_dimension_numbers<[0], [0], [1], [1], [0, 1, 1, 1], [], []>, transpose_lhs_hint = false} : vector<512x1xf32>, vector<512x512xf32>, vector<1x512xf32> -> vector<1x512xf32>
    %get3A_624 = arith.constant 0 : index
    %get3A_625 = arith.constant 2560 : index
    %get3A_626 = vector.load %arg5[%get3A_624, %get3A_625] : memref<32x4096xf32, #tpu.memory_space<vmem>>, vector<32x512xf32>
    %dot_general3A_627 = arith.constant dense<0.000000e+00> : vector<1x32xf32>
    %dot_general3A_628 = tpu.matmul %dot_general3A_623, %get3A_626, %dot_general3A_627 {dimension_numbers = #tpu.dot_dimension_numbers<[1], [1], [0], [0], [0, 0, 1, 0], [], []>, transpose_lhs_hint = false} : vector<1x512xf32>, vector<32x512xf32>, vector<1x32xf32> -> vector<1x32xf32>
    %add3A_629 = arith.addf %add3A_537, %dot_general3A_628 : vector<1x32xf32>
    %get3A_630 = arith.constant 0 : index
    %get3A_631 = arith.constant 0 : index
    %get3A_632 = vector.load %arg2[%get3A_630, %get3A_631] : memref<512x128xf32, #tpu.memory_space<vmem>>, vector<512x64xf32>
    %get3A_633 = arith.constant 0 : index
    %get3A_634 = arith.constant 3072 : index
    %get3A_635 = vector.load %arg3[%get3A_633, %get3A_634] : memref<64x4096xf32, #tpu.memory_space<vmem>>, vector<64x512xf32>
    %dot_general3A_636 = arith.constant dense<0.000000e+00> : vector<512x512xf32>
    %dot_general3A_637 = tpu.matmul %get3A_632, %get3A_635, %dot_general3A_636 {dimension_numbers = #tpu.dot_dimension_numbers<[1], [0], [0], [1], [0, 0, 1, 1], [], []>, transpose_lhs_hint = false} : vector<512x64xf32>, vector<64x512xf32>, vector<512x512xf32> -> vector<512x512xf32>
    %ge3A_638 = arith.constant 2.450000e-01 : f32
    %ge3A_639 = vector.broadcast %ge3A_638 : f32 to vector<512x512xf32>
    %ge3A_640 = arith.cmpf oge, %dot_general3A_637, %ge3A_639 : vector<512x512xf32>
    %jit3A_641 = arith.constant 0.670714259 : f32
    %jit3A_642 = arith.constant -0.180714279 : f32
    %broadcast_in_dim3A_643 = vector.broadcast %jit3A_641 : f32 to vector<512x512xf32>
    %broadcast_in_dim3A_644 = vector.broadcast %jit3A_642 : f32 to vector<512x512xf32>
    %select_n3A_645 = arith.select %ge3A_640, %broadcast_in_dim3A_643, %broadcast_in_dim3A_644 : vector<512x512xi1>, vector<512x512xf32>
    %ge3A_646 = arith.cmpf oge, %dot_general3A_637, %select_n3A_645 : vector<512x512xf32>
    %jit3A_647 = arith.constant 0.883571445 : f32
    %jit3A_648 = arith.constant 0.457857132 : f32
    %broadcast_in_dim3A_649 = vector.broadcast %jit3A_647 : f32 to vector<512x512xf32>
    %broadcast_in_dim3A_650 = vector.broadcast %jit3A_648 : f32 to vector<512x512xf32>
    %select_n3A_651 = arith.select %ge3A_646, %broadcast_in_dim3A_649, %broadcast_in_dim3A_650 : vector<512x512xi1>, vector<512x512xf32>
    %jit3A_652 = arith.constant 0.032142859 : f32
    %jit3A_653 = arith.constant -0.393571436 : f32
    %broadcast_in_dim3A_654 = vector.broadcast %jit3A_652 : f32 to vector<512x512xf32>
    %broadcast_in_dim3A_655 = vector.broadcast %jit3A_653 : f32 to vector<512x512xf32>
    %select_n3A_656 = arith.select %ge3A_646, %broadcast_in_dim3A_654, %broadcast_in_dim3A_655 : vector<512x512xi1>, vector<512x512xf32>
    %select_n3A_657 = arith.select %ge3A_640, %select_n3A_651, %select_n3A_656 : vector<512x512xi1>, vector<512x512xf32>
    %ge3A_658 = arith.cmpf oge, %dot_general3A_637, %select_n3A_657 : vector<512x512xf32>
    %jit3A_659 = arith.constant 9.900000e-01 : f32
    %jit3A_660 = arith.constant 0.564285696 : f32
    %broadcast_in_dim3A_661 = vector.broadcast %jit3A_659 : f32 to vector<512x512xf32>
    %broadcast_in_dim3A_662 = vector.broadcast %jit3A_660 : f32 to vector<512x512xf32>
    %select_n3A_663 = arith.select %ge3A_646, %broadcast_in_dim3A_661, %broadcast_in_dim3A_662 : vector<512x512xi1>, vector<512x512xf32>
    %jit3A_664 = arith.constant 0.138571426 : f32
    %jit3A_665 = arith.constant -0.287142843 : f32
    %broadcast_in_dim3A_666 = vector.broadcast %jit3A_664 : f32 to vector<512x512xf32>
    %broadcast_in_dim3A_667 = vector.broadcast %jit3A_665 : f32 to vector<512x512xf32>
    %select_n3A_668 = arith.select %ge3A_646, %broadcast_in_dim3A_666, %broadcast_in_dim3A_667 : vector<512x512xi1>, vector<512x512xf32>
    %select_n3A_669 = arith.select %ge3A_640, %select_n3A_663, %select_n3A_668 : vector<512x512xi1>, vector<512x512xf32>
    %jit3A_670 = arith.constant 0.777142882 : f32
    %jit3A_671 = arith.constant 0.351428568 : f32
    %broadcast_in_dim3A_672 = vector.broadcast %jit3A_670 : f32 to vector<512x512xf32>
    %broadcast_in_dim3A_673 = vector.broadcast %jit3A_671 : f32 to vector<512x512xf32>
    %select_n3A_674 = arith.select %ge3A_646, %broadcast_in_dim3A_672, %broadcast_in_dim3A_673 : vector<512x512xi1>, vector<512x512xf32>
    %jit3A_675 = arith.constant -0.0742857158 : f32
    %jit3A_676 = arith.constant -5.000000e-01 : f32
    %broadcast_in_dim3A_677 = vector.broadcast %jit3A_675 : f32 to vector<512x512xf32>
    %broadcast_in_dim3A_678 = vector.broadcast %jit3A_676 : f32 to vector<512x512xf32>
    %select_n3A_679 = arith.select %ge3A_646, %broadcast_in_dim3A_677, %broadcast_in_dim3A_678 : vector<512x512xi1>, vector<512x512xf32>
    %select_n3A_680 = arith.select %ge3A_640, %select_n3A_674, %select_n3A_679 : vector<512x512xi1>, vector<512x512xf32>
    %select_n3A_681 = arith.select %ge3A_658, %select_n3A_669, %select_n3A_680 : vector<512x512xi1>, vector<512x512xf32>
    %ge3A_682 = arith.cmpf oge, %dot_general3A_637, %select_n3A_681 : vector<512x512xf32>
    %broadcast_in_dim3A_683 = vector.broadcast %add3A_10 : f32 to vector<512x512xf32>
    %broadcast_in_dim3A_684 = vector.broadcast %add3A : f32 to vector<512x512xf32>
    %select_n3A_685 = arith.select %ge3A_682, %broadcast_in_dim3A_683, %broadcast_in_dim3A_684 : vector<512x512xi1>, vector<512x512xf32>
    %broadcast_in_dim3A_686 = vector.broadcast %add3A_20 : f32 to vector<512x512xf32>
    %broadcast_in_dim3A_687 = vector.broadcast %add3A_15 : f32 to vector<512x512xf32>
    %select_n3A_688 = arith.select %ge3A_682, %broadcast_in_dim3A_686, %broadcast_in_dim3A_687 : vector<512x512xi1>, vector<512x512xf32>
    %broadcast_in_dim3A_689 = vector.broadcast %add3A_30 : f32 to vector<512x512xf32>
    %broadcast_in_dim3A_690 = vector.broadcast %add3A_25 : f32 to vector<512x512xf32>
    %select_n3A_691 = arith.select %ge3A_682, %broadcast_in_dim3A_689, %broadcast_in_dim3A_690 : vector<512x512xi1>, vector<512x512xf32>
    %broadcast_in_dim3A_692 = vector.broadcast %add3A_40 : f32 to vector<512x512xf32>
    %broadcast_in_dim3A_693 = vector.broadcast %add3A_35 : f32 to vector<512x512xf32>
    %select_n3A_694 = arith.select %ge3A_682, %broadcast_in_dim3A_692, %broadcast_in_dim3A_693 : vector<512x512xi1>, vector<512x512xf32>
    %broadcast_in_dim3A_695 = vector.broadcast %add3A_50 : f32 to vector<512x512xf32>
    %broadcast_in_dim3A_696 = vector.broadcast %add3A_45 : f32 to vector<512x512xf32>
    %select_n3A_697 = arith.select %ge3A_682, %broadcast_in_dim3A_695, %broadcast_in_dim3A_696 : vector<512x512xi1>, vector<512x512xf32>
    %broadcast_in_dim3A_698 = vector.broadcast %add3A_60 : f32 to vector<512x512xf32>
    %broadcast_in_dim3A_699 = vector.broadcast %add3A_55 : f32 to vector<512x512xf32>
    %select_n3A_700 = arith.select %ge3A_682, %broadcast_in_dim3A_698, %broadcast_in_dim3A_699 : vector<512x512xi1>, vector<512x512xf32>
    %broadcast_in_dim3A_701 = vector.broadcast %add3A_70 : f32 to vector<512x512xf32>
    %broadcast_in_dim3A_702 = vector.broadcast %add3A_65 : f32 to vector<512x512xf32>
    %select_n3A_703 = arith.select %ge3A_682, %broadcast_in_dim3A_701, %broadcast_in_dim3A_702 : vector<512x512xi1>, vector<512x512xf32>
    %broadcast_in_dim3A_704 = vector.broadcast %add3A_80 : f32 to vector<512x512xf32>
    %broadcast_in_dim3A_705 = vector.broadcast %add3A_75 : f32 to vector<512x512xf32>
    %select_n3A_706 = arith.select %ge3A_682, %broadcast_in_dim3A_704, %broadcast_in_dim3A_705 : vector<512x512xi1>, vector<512x512xf32>
    %select_n3A_707 = arith.select %ge3A_658, %select_n3A_688, %select_n3A_685 : vector<512x512xi1>, vector<512x512xf32>
    %select_n3A_708 = arith.select %ge3A_658, %select_n3A_694, %select_n3A_691 : vector<512x512xi1>, vector<512x512xf32>
    %select_n3A_709 = arith.select %ge3A_658, %select_n3A_700, %select_n3A_697 : vector<512x512xi1>, vector<512x512xf32>
    %select_n3A_710 = arith.select %ge3A_658, %select_n3A_706, %select_n3A_703 : vector<512x512xi1>, vector<512x512xf32>
    %select_n3A_711 = arith.select %ge3A_646, %select_n3A_708, %select_n3A_707 : vector<512x512xi1>, vector<512x512xf32>
    %select_n3A_712 = arith.select %ge3A_646, %select_n3A_710, %select_n3A_709 : vector<512x512xi1>, vector<512x512xf32>
    %select_n3A_713 = arith.select %ge3A_640, %select_n3A_712, %select_n3A_711 : vector<512x512xi1>, vector<512x512xf32>
    %dot_general3A_714 = arith.constant dense<0.000000e+00> : vector<1x512xf32>
    %dot_general3A_715 = tpu.matmul %get3A_83, %select_n3A_713, %dot_general3A_714 {dimension_numbers = #tpu.dot_dimension_numbers<[0], [0], [1], [1], [0, 1, 1, 1], [], []>, transpose_lhs_hint = false} : vector<512x1xf32>, vector<512x512xf32>, vector<1x512xf32> -> vector<1x512xf32>
    %get3A_716 = arith.constant 0 : index
    %get3A_717 = arith.constant 3072 : index
    %get3A_718 = vector.load %arg5[%get3A_716, %get3A_717] : memref<32x4096xf32, #tpu.memory_space<vmem>>, vector<32x512xf32>
    %dot_general3A_719 = arith.constant dense<0.000000e+00> : vector<1x32xf32>
    %dot_general3A_720 = tpu.matmul %dot_general3A_715, %get3A_718, %dot_general3A_719 {dimension_numbers = #tpu.dot_dimension_numbers<[1], [1], [0], [0], [0, 0, 1, 0], [], []>, transpose_lhs_hint = false} : vector<1x512xf32>, vector<32x512xf32>, vector<1x32xf32> -> vector<1x32xf32>
    %add3A_721 = arith.addf %add3A_629, %dot_general3A_720 : vector<1x32xf32>
    %get3A_722 = arith.constant 0 : index
    %get3A_723 = arith.constant 0 : index
    %get3A_724 = vector.load %arg2[%get3A_722, %get3A_723] : memref<512x128xf32, #tpu.memory_space<vmem>>, vector<512x64xf32>
    %get3A_725 = arith.constant 0 : index
    %get3A_726 = arith.constant 3584 : index
    %get3A_727 = vector.load %arg3[%get3A_725, %get3A_726] : memref<64x4096xf32, #tpu.memory_space<vmem>>, vector<64x512xf32>
    %dot_general3A_728 = arith.constant dense<0.000000e+00> : vector<512x512xf32>
    %dot_general3A_729 = tpu.matmul %get3A_724, %get3A_727, %dot_general3A_728 {dimension_numbers = #tpu.dot_dimension_numbers<[1], [0], [0], [1], [0, 0, 1, 1], [], []>, transpose_lhs_hint = false} : vector<512x64xf32>, vector<64x512xf32>, vector<512x512xf32> -> vector<512x512xf32>
    %ge3A_730 = arith.constant 2.450000e-01 : f32
    %ge3A_731 = vector.broadcast %ge3A_730 : f32 to vector<512x512xf32>
    %ge3A_732 = arith.cmpf oge, %dot_general3A_729, %ge3A_731 : vector<512x512xf32>
    %jit3A_733 = arith.constant 0.670714259 : f32
    %jit3A_734 = arith.constant -0.180714279 : f32
    %broadcast_in_dim3A_735 = vector.broadcast %jit3A_733 : f32 to vector<512x512xf32>
    %broadcast_in_dim3A_736 = vector.broadcast %jit3A_734 : f32 to vector<512x512xf32>
    %select_n3A_737 = arith.select %ge3A_732, %broadcast_in_dim3A_735, %broadcast_in_dim3A_736 : vector<512x512xi1>, vector<512x512xf32>
    %ge3A_738 = arith.cmpf oge, %dot_general3A_729, %select_n3A_737 : vector<512x512xf32>
    %jit3A_739 = arith.constant 0.883571445 : f32
    %jit3A_740 = arith.constant 0.457857132 : f32
    %broadcast_in_dim3A_741 = vector.broadcast %jit3A_739 : f32 to vector<512x512xf32>
    %broadcast_in_dim3A_742 = vector.broadcast %jit3A_740 : f32 to vector<512x512xf32>
    %select_n3A_743 = arith.select %ge3A_738, %broadcast_in_dim3A_741, %broadcast_in_dim3A_742 : vector<512x512xi1>, vector<512x512xf32>
    %jit3A_744 = arith.constant 0.032142859 : f32
    %jit3A_745 = arith.constant -0.393571436 : f32
    %broadcast_in_dim3A_746 = vector.broadcast %jit3A_744 : f32 to vector<512x512xf32>
    %broadcast_in_dim3A_747 = vector.broadcast %jit3A_745 : f32 to vector<512x512xf32>
    %select_n3A_748 = arith.select %ge3A_738, %broadcast_in_dim3A_746, %broadcast_in_dim3A_747 : vector<512x512xi1>, vector<512x512xf32>
    %select_n3A_749 = arith.select %ge3A_732, %select_n3A_743, %select_n3A_748 : vector<512x512xi1>, vector<512x512xf32>
    %ge3A_750 = arith.cmpf oge, %dot_general3A_729, %select_n3A_749 : vector<512x512xf32>
    %jit3A_751 = arith.constant 9.900000e-01 : f32
    %jit3A_752 = arith.constant 0.564285696 : f32
    %broadcast_in_dim3A_753 = vector.broadcast %jit3A_751 : f32 to vector<512x512xf32>
    %broadcast_in_dim3A_754 = vector.broadcast %jit3A_752 : f32 to vector<512x512xf32>
    %select_n3A_755 = arith.select %ge3A_738, %broadcast_in_dim3A_753, %broadcast_in_dim3A_754 : vector<512x512xi1>, vector<512x512xf32>
    %jit3A_756 = arith.constant 0.138571426 : f32
    %jit3A_757 = arith.constant -0.287142843 : f32
    %broadcast_in_dim3A_758 = vector.broadcast %jit3A_756 : f32 to vector<512x512xf32>
    %broadcast_in_dim3A_759 = vector.broadcast %jit3A_757 : f32 to vector<512x512xf32>
    %select_n3A_760 = arith.select %ge3A_738, %broadcast_in_dim3A_758, %broadcast_in_dim3A_759 : vector<512x512xi1>, vector<512x512xf32>
    %select_n3A_761 = arith.select %ge3A_732, %select_n3A_755, %select_n3A_760 : vector<512x512xi1>, vector<512x512xf32>
    %jit3A_762 = arith.constant 0.777142882 : f32
    %jit3A_763 = arith.constant 0.351428568 : f32
    %broadcast_in_dim3A_764 = vector.broadcast %jit3A_762 : f32 to vector<512x512xf32>
    %broadcast_in_dim3A_765 = vector.broadcast %jit3A_763 : f32 to vector<512x512xf32>
    %select_n3A_766 = arith.select %ge3A_738, %broadcast_in_dim3A_764, %broadcast_in_dim3A_765 : vector<512x512xi1>, vector<512x512xf32>
    %jit3A_767 = arith.constant -0.0742857158 : f32
    %jit3A_768 = arith.constant -5.000000e-01 : f32
    %broadcast_in_dim3A_769 = vector.broadcast %jit3A_767 : f32 to vector<512x512xf32>
    %broadcast_in_dim3A_770 = vector.broadcast %jit3A_768 : f32 to vector<512x512xf32>
    %select_n3A_771 = arith.select %ge3A_738, %broadcast_in_dim3A_769, %broadcast_in_dim3A_770 : vector<512x512xi1>, vector<512x512xf32>
    %select_n3A_772 = arith.select %ge3A_732, %select_n3A_766, %select_n3A_771 : vector<512x512xi1>, vector<512x512xf32>
    %select_n3A_773 = arith.select %ge3A_750, %select_n3A_761, %select_n3A_772 : vector<512x512xi1>, vector<512x512xf32>
    %ge3A_774 = arith.cmpf oge, %dot_general3A_729, %select_n3A_773 : vector<512x512xf32>
    %broadcast_in_dim3A_775 = vector.broadcast %add3A_10 : f32 to vector<512x512xf32>
    %broadcast_in_dim3A_776 = vector.broadcast %add3A : f32 to vector<512x512xf32>
    %select_n3A_777 = arith.select %ge3A_774, %broadcast_in_dim3A_775, %broadcast_in_dim3A_776 : vector<512x512xi1>, vector<512x512xf32>
    %broadcast_in_dim3A_778 = vector.broadcast %add3A_20 : f32 to vector<512x512xf32>
    %broadcast_in_dim3A_779 = vector.broadcast %add3A_15 : f32 to vector<512x512xf32>
    %select_n3A_780 = arith.select %ge3A_774, %broadcast_in_dim3A_778, %broadcast_in_dim3A_779 : vector<512x512xi1>, vector<512x512xf32>
    %broadcast_in_dim3A_781 = vector.broadcast %add3A_30 : f32 to vector<512x512xf32>
    %broadcast_in_dim3A_782 = vector.broadcast %add3A_25 : f32 to vector<512x512xf32>
    %select_n3A_783 = arith.select %ge3A_774, %broadcast_in_dim3A_781, %broadcast_in_dim3A_782 : vector<512x512xi1>, vector<512x512xf32>
    %broadcast_in_dim3A_784 = vector.broadcast %add3A_40 : f32 to vector<512x512xf32>
    %broadcast_in_dim3A_785 = vector.broadcast %add3A_35 : f32 to vector<512x512xf32>
    %select_n3A_786 = arith.select %ge3A_774, %broadcast_in_dim3A_784, %broadcast_in_dim3A_785 : vector<512x512xi1>, vector<512x512xf32>
    %broadcast_in_dim3A_787 = vector.broadcast %add3A_50 : f32 to vector<512x512xf32>
    %broadcast_in_dim3A_788 = vector.broadcast %add3A_45 : f32 to vector<512x512xf32>
    %select_n3A_789 = arith.select %ge3A_774, %broadcast_in_dim3A_787, %broadcast_in_dim3A_788 : vector<512x512xi1>, vector<512x512xf32>
    %broadcast_in_dim3A_790 = vector.broadcast %add3A_60 : f32 to vector<512x512xf32>
    %broadcast_in_dim3A_791 = vector.broadcast %add3A_55 : f32 to vector<512x512xf32>
    %select_n3A_792 = arith.select %ge3A_774, %broadcast_in_dim3A_790, %broadcast_in_dim3A_791 : vector<512x512xi1>, vector<512x512xf32>
    %broadcast_in_dim3A_793 = vector.broadcast %add3A_70 : f32 to vector<512x512xf32>
    %broadcast_in_dim3A_794 = vector.broadcast %add3A_65 : f32 to vector<512x512xf32>
    %select_n3A_795 = arith.select %ge3A_774, %broadcast_in_dim3A_793, %broadcast_in_dim3A_794 : vector<512x512xi1>, vector<512x512xf32>
    %broadcast_in_dim3A_796 = vector.broadcast %add3A_80 : f32 to vector<512x512xf32>
    %broadcast_in_dim3A_797 = vector.broadcast %add3A_75 : f32 to vector<512x512xf32>
    %select_n3A_798 = arith.select %ge3A_774, %broadcast_in_dim3A_796, %broadcast_in_dim3A_797 : vector<512x512xi1>, vector<512x512xf32>
    %select_n3A_799 = arith.select %ge3A_750, %select_n3A_780, %select_n3A_777 : vector<512x512xi1>, vector<512x512xf32>
    %select_n3A_800 = arith.select %ge3A_750, %select_n3A_786, %select_n3A_783 : vector<512x512xi1>, vector<512x512xf32>
    %select_n3A_801 = arith.select %ge3A_750, %select_n3A_792, %select_n3A_789 : vector<512x512xi1>, vector<512x512xf32>
    %select_n3A_802 = arith.select %ge3A_750, %select_n3A_798, %select_n3A_795 : vector<512x512xi1>, vector<512x512xf32>
    %select_n3A_803 = arith.select %ge3A_738, %select_n3A_800, %select_n3A_799 : vector<512x512xi1>, vector<512x512xf32>
    %select_n3A_804 = arith.select %ge3A_738, %select_n3A_802, %select_n3A_801 : vector<512x512xi1>, vector<512x512xf32>
    %select_n3A_805 = arith.select %ge3A_732, %select_n3A_804, %select_n3A_803 : vector<512x512xi1>, vector<512x512xf32>
    %dot_general3A_806 = arith.constant dense<0.000000e+00> : vector<1x512xf32>
    %dot_general3A_807 = tpu.matmul %get3A_83, %select_n3A_805, %dot_general3A_806 {dimension_numbers = #tpu.dot_dimension_numbers<[0], [0], [1], [1], [0, 1, 1, 1], [], []>, transpose_lhs_hint = false} : vector<512x1xf32>, vector<512x512xf32>, vector<1x512xf32> -> vector<1x512xf32>
    %get3A_808 = arith.constant 0 : index
    %get3A_809 = arith.constant 3584 : index
    %get3A_810 = vector.load %arg5[%get3A_808, %get3A_809] : memref<32x4096xf32, #tpu.memory_space<vmem>>, vector<32x512xf32>
    %dot_general3A_811 = arith.constant dense<0.000000e+00> : vector<1x32xf32>
    %dot_general3A_812 = tpu.matmul %dot_general3A_807, %get3A_810, %dot_general3A_811 {dimension_numbers = #tpu.dot_dimension_numbers<[1], [1], [0], [0], [0, 0, 1, 0], [], []>, transpose_lhs_hint = false} : vector<1x512xf32>, vector<32x512xf32>, vector<1x32xf32> -> vector<1x32xf32>
    %add3A_813 = arith.addf %add3A_721, %dot_general3A_812 : vector<1x32xf32>
    %eq3A_814 = arith.constant 0 : i32
    %eq3A_815 = arith.cmpi eq, %arg1, %eq3A_814 : i32
    %convert_element_type3A_816 = arith.extui %eq3A_815 : i1 to i32
    %cond3A_817 = arith.constant 0 : i32
    %cond3A_818 = arith.cmpi ne, %convert_element_type3A_816, %cond3A_817 : i32
    scf.if %cond3A_818 {
      %swap3A = arith.constant 0 : index
      %swap3A_823 = arith.constant 0 : index
      %swap3A_824 = arith.constant 0 : index
      %swap3A_825 = vector.load %arg10[%swap3A, %swap3A_823, %swap3A_824] : memref<1x1x32xf32, #tpu.memory_space<vmem>>, vector<1x1x32xf32>
      %swap3A_826 = vector.shape_cast %swap3A_825 : vector<1x1x32xf32> to vector<1x32xf32>
      %swap3A_827 = vector.shape_cast %add3A_813 : vector<1x32xf32> to vector<1x1x32xf32>
      tpu.vector_store %arg10[%swap3A, %swap3A_823, %swap3A_824], %swap3A_827 {strides = array<i32>} : memref<1x1x32xf32, #tpu.memory_space<vmem>>, vector<1x1x32xf32>,
    } else {
    }
    %ne3A = arith.constant 0 : i32
    %ne3A_819 = arith.cmpi ne, %arg1, %ne3A : i32
    %convert_element_type3A_820 = arith.extui %ne3A_819 : i1 to i32
    %cond3A_821 = arith.constant 0 : i32
    %cond3A_822 = arith.cmpi ne, %convert_element_type3A_820, %cond3A_821 : i32
    scf.if %cond3A_822 {
      %get3A_823 = arith.constant 0 : index
      %get3A_824 = arith.constant 0 : index
      %get3A_825 = arith.constant 0 : index
      %get3A_826 = vector.load %arg10[%get3A_823, %get3A_824, %get3A_825] : memref<1x1x32xf32, #tpu.memory_space<vmem>>, vector<1x1x32xf32>
      %get3A_827 = vector.shape_cast %get3A_826 : vector<1x1x32xf32> to vector<1x32xf32>
      %add3A_828 = arith.addf %get3A_827, %add3A_813 : vector<1x32xf32>
      %swap3A = arith.constant 0 : index
      %swap3A_829 = arith.constant 0 : index
      %swap3A_830 = arith.constant 0 : index
      %swap3A_831 = vector.load %arg10[%swap3A, %swap3A_829, %swap3A_830] : memref<1x1x32xf32, #tpu.memory_space<vmem>>, vector<1x1x32xf32>
      %swap3A_832 = vector.shape_cast %swap3A_831 : vector<1x1x32xf32> to vector<1x32xf32>
      %swap3A_833 = vector.shape_cast %add3A_828 : vector<1x32xf32> to vector<1x1x32xf32>
      tpu.vector_store %arg10[%swap3A, %swap3A_829, %swap3A_830], %swap3A_833 {strides = array<i32>} : memref<1x1x32xf32, #tpu.memory_space<vmem>>, vector<1x1x32xf32>,
    } else {
    }
    return
  }
  func.func @transform_0(%arg0: i32, %arg1: i32) -> (i32, i32) {
    %c0_i32 = arith.constant 0 : i32
    %c0_i32_0 = arith.constant 0 : i32
    return %arg0, %c0_i32 : i32, i32
  }
  func.func @transform_1(%arg0: i32, %arg1: i32) -> (i32, i32) {
    %c0_i32 = arith.constant 0 : i32
    %c0_i32_0 = arith.constant 0 : i32
    return %c0_i32, %arg1 : i32, i32
  }
  func.func @transform_2(%arg0: i32, %arg1: i32) -> (i32, i32, i32) {
    %c0_i32 = arith.constant 0 : i32
    %c0_i32_0 = arith.constant 0 : i32
    %c0_i32_1 = arith.constant 0 : i32
    return %arg0, %c0_i32, %c0_i32_0 : i32, i32, i32
  }
  func.func @transform_3(%arg0: i32, %arg1: i32) -> (i32, i32) {
    %c0_i32 = arith.constant 0 : i32
    %c0_i32_0 = arith.constant 0 : i32
    return %c0_i32, %arg1 : i32, i32
  }
  func.func @transform_4(%arg0: i32, %arg1: i32) -> (i32, i32) {
    %c0_i32 = arith.constant 0 : i32
    %c0_i32_0 = arith.constant 0 : i32
    %c0_i32_1 = arith.constant 0 : i32
    return %c0_i32, %c0_i32_0 : i32, i32
  }
  func.func @transform_5(%arg0: i32, %arg1: i32) -> (i32, i32) {
    %c0_i32 = arith.constant 0 : i32
    %c0_i32_0 = arith.constant 0 : i32
    %c0_i32_1 = arith.constant 0 : i32
    return %c0_i32, %c0_i32_0 : i32, i32
  }
  func.func @transform_6(%arg0: i32, %arg1: i32) -> i32 {
    %c0_i32 = arith.constant 0 : i32
    %c0_i32_0 = arith.constant 0 : i32
    return %c0_i32 : i32
  }
  func.func @transform_7(%arg0: i32, %arg1: i32) -> i32 {
    %c0_i32 = arith.constant 0 : i32
    %c0_i32_0 = arith.constant 0 : i32
    return %c0_i32 : i32
  }
  func.func @transform_8(%arg0: i32, %arg1: i32) -> (i32, i32, i32) {
    %c0_i32 = arith.constant 0 : i32
    %c0_i32_0 = arith.constant 0 : i32
    %c0_i32_1 = arith.constant 0 : i32
    return %arg0, %c0_i32, %c0_i32_0 : i32, i32, i32
  }
  func.func @transform_9(%arg0: i32, %arg1: i32) -> (i32, i32, i32) {
    %c0_i32 = arith.constant 0 : i32
    %c0_i32_0 = arith.constant 0 : i32
    %c0_i32_1 = arith.constant 0 : i32
    return %arg0, %c0_i32, %c0_i32_0 : i32, i32, i32
  }
}

</mosaic_0001>

<sc_bundles>
// kernel: kernel.5.cloned.1.call-start
scs
__scs_entry_jumppad:
0x0: {  	(pc) =	sbr.rel $0x88, $3  }
0x1: {  	(tag) =	ssettag $0x0;
	lr =	simm.s32 $0x1  }
0x2: {  	[smem:$0x3F98] =	sst lr;
	_ =	strace $0xD0000000  }
0x3: {  	_ = 	snop  }
0x4: {  	_ = 	snop  }
0x5: {  	_ = 	snop  }
0x6: {  	_ = 	snop  }
0x7: {  	_ = 	snop  }
__scs_overlays_trampoline_lowered:
0x8: {  	[smem:$0x3FA7] =	sst s0  }
0x9: {  	[smem:$0x3FA8] =	sst s1  }
0xa: {  	[smem:$0x3FA9] =	sst s2  }
0xb: {  	[smem:$0x3FAA] =	sst s3  }
0xc: {  	[smem:$0x3FAB] =	sst s4  }
0xd: {  	[smem:$0x3FAC] =	sst s5  }
0xe: {  	[smem:$0x3FAD] =	sst s6  }
0xf: {  	[smem:$0x3FAE] =	sst s7  }
0x10: {  	[smem:$0x3FAF] =	sst s8  }
0x11: {  	[smem:$0x3FB0] =	sst s9;
	s0 =	simm.s32 @!p0 $0x0  }
0x12: {  	s1 =	sld [smem:$0x3F96];
	s0 =	simm.s32 @p0 $0x1  }
0x13: {  	[smem:$0x3FB1] =	sst s0;
	s0 =	simm.s32 @!p1 $0x0  }
0x14: {  	s2 =	sld [smem:$0x3F95];
	s0 =	simm.s32 @p1 $0x1  }
0x15: {  	[smem:$0x3FB2] =	sst s0;
	s0 =	simm.s32 @!p2 $0x0  }
0x16: {  	s3 =	sld [smem:$0x3FDB];
	s0 =	simm.s32 @p2 $0x1  }
0x17: {  	s4 =	simm.s32 $0x1BF5;
	[smem:$0x3FB4] =	sst s0  }
0x18: {  	s0 =	sld [smem:$0x3F97];
	_ =	swait.ge [sflag:s4], $0x0  }
0x19: {  	s7 =	sld [smem:$0x3F98]  }
0x1a: {  	s8 =	sadd.s32 $0xFFFFE003, lr  }
0x1b: {  	s9 =	sadd.s32 $0xFFFFFEF7, lr;
	s5 =	simm.s32 $0xFFFFFFFF;
	p2 =	slt.u32 s8, $0xFFFFF086  }
0x1c: {  	p1 =	slt.u32 s9, $0xF7A;
	s5 =	simm.s32 @!p2 $0x0  }
0x1d: {  	s5 =	simm.s32 @p1 $0x1;
	p0 =	seq.s32 s7, s2  }
0x1e: {  	s7 =	smul.u32 @!p0 $0xF7A, s2;
	p2 =	seq.s32 @!p0 s5, $0x0  }
0x1f: {  	s9 =	smul.u32 $0xF7A, s1;
	s8 =	simm.s32 @!p0 $0x1BF5;
	p2 =	por !p2, p0  }
0x20: {  	[sflag:s8] =	ssyncset.s32 @!p0 $0xFFFFF086;
	s6 =	sadd.s32 @!p0 s3, s7;
	s7 =	simm.s32 @!p0 $0x108  }
0x21: {  	s3 =	sadd.s32 s3, s9;
	s6 =	sadd.s32 @!p0 $0x88, s6;
	s7 =	simm.s32 @p2 $0x1082  }
0x22: {  	[simem:s7], [sflag:s8] =	dma.local @!p0 [hbm:s6], $0xF7A  }
0x23: {  	s9 =	sor.u32 $0xD0000000, s2;
	s6 =	simm.s32 $0x108;
	_ =	swait.ge @!p0 [sflag:s8], $0x0  }
0x24: {  	s3 =	sadd.s32 $0x88, s3;
	s6 =	simm.s32 @!p1 $0x1082;
	[sflag:s4] =	ssyncset.s32 $0xFFFFF086  }
0x25: {  	[simem:s6], [sflag:s4] =	dma.local [hbm:s3], $0xF7A  }
0x26: {  	[smem:$0x3F98] =	sst s1;
	(tag) =	ssettag s2;
	_ =	strace s9  }
0x27: {  	s1 =	sld [smem:$0x3FA8]  }
0x28: {  	s2 =	sld [smem:$0x3FA9]  }
0x29: {  	s4 =	sld [smem:$0x3FAB]  }
0x2a: {  	p0 =	seq.s32 s5, $0x0;
	s5 =	sld [smem:$0x3FAC]  }
0x2b: {  	s6 =	sld [smem:$0x3FAD]  }
0x2c: {  	s7 =	sld [smem:$0x3FAE]  }
0x2d: {  	s3 =	simm.s32 $0x108;
	s8 =	sld [smem:$0x3FAF]  }
0x2e: {  	s3 =	simm.s32 @!p0 $0x1082;
	s9 =	sld [smem:$0x3FB0]  }
0x2f: {  	lr =	sadd.s32 s0, s3;
	s0 =	sld [smem:$0x3FA7]  }
0x30: {  	s3 =	sld [smem:$0x3FAA]  }
0x31: {  	[smem:$0x3FB3] =	sst s10  }
0x32: {  	s10 =	sld [smem:$0x3FB1];
	_ =	sdelay $0x3  }
0x33: {  	p0 =	seq.s32 s10, $0x1;
	s10 =	sld [smem:$0x3FB3];
	_ =	sdelay $0x3  }
0x34: {  	[smem:$0x3FB3] =	sst s10  }
0x35: {  	s10 =	sld [smem:$0x3FB2];
	_ =	sdelay $0x3  }
0x36: {  	p1 =	seq.s32 s10, $0x1;
	s10 =	sld [smem:$0x3FB3];
	_ =	sdelay $0x3  }
0x37: {  	[smem:$0x3FB3] =	sst s10  }
0x38: {  	s10 =	sld [smem:$0x3FB4]  }
0x39: {  	_ = 	snop;
	(pc) =	sbr.ind lr, $3  }
0x3a: {  	_ = 	snop  }
0x3b: {  	_ = 	snop  }
0x3c: {  	p2 =	seq.s32 s10, $0x1;
	s10 =	sld [smem:$0x3FB3]  }
0x3d: {  	_ =	shalt  }
0x3e: {  	_ =	shalt  }
0x3f: {  	_ =	shalt  }
0x40: {  	_ =	shalt  }
0x41: {  	_ =	shalt  }
0x42: {  	_ =	shalt  }
0x43: {  	_ =	shalt  }
0x44: {  	_ =	shalt  }
0x45: {  	_ =	shalt  }
0x46: {  	_ =	shalt  }
0x47: {  	_ =	shalt  }
0x48: {  	_ =	shalt  }
0x49: {  	_ =	shalt  }
0x4a: {  	_ =	shalt  }
0x4b: {  	_ =	shalt  }
0x4c: {  	_ =	shalt  }
0x4d: {  	_ =	shalt  }
0x4e: {  	_ =	shalt  }
0x4f: {  	_ =	shalt  }
0x50: {  	_ =	shalt  }
0x51: {  	_ =	shalt  }
0x52: {  	_ =	shalt  }
0x53: {  	_ =	shalt  }
0x54: {  	_ =	shalt  }
0x55: {  	_ =	shalt  }
0x56: {  	_ =	shalt  }
0x57: {  	_ =	shalt  }
0x58: {  	_ =	shalt  }
0x59: {  	_ =	shalt  }
0x5a: {  	_ =	shalt  }
0x5b: {  	_ =	shalt  }
0x5c: {  	_ =	shalt  }
0x5d: {  	_ =	shalt  }
0x5e: {  	_ =	shalt  }
0x5f: {  	_ =	shalt  }
0x60: {  	_ =	shalt  }
0x61: {  	_ =	shalt  }
0x62: {  	_ =	shalt  }
0x63: {  	_ =	shalt  }
0x64: {  	_ =	shalt  }
0x65: {  	_ =	shalt  }
0x66: {  	_ =	shalt  }
0x67: {  	_ =	shalt  }
0x68: {  	_ =	shalt  }
0x69: {  	_ =	shalt  }
0x6a: {  	_ =	shalt  }
0x6b: {  	_ =	shalt  }
0x6c: {  	_ =	shalt  }
0x6d: {  	_ =	shalt  }
0x6e: {  	_ =	shalt  }
0x6f: {  	_ =	shalt  }
0x70: {  	_ =	shalt  }
0x71: {  	_ =	shalt  }
0x72: {  	_ =	shalt  }
0x73: {  	_ =	shalt  }
0x74: {  	_ =	shalt  }
0x75: {  	_ =	shalt  }
0x76: {  	_ =	shalt  }
0x77: {  	_ =	shalt  }
0x78: {  	_ =	shalt  }
0x79: {  	_ =	shalt  }
0x7a: {  	_ =	shalt  }
0x7b: {  	_ =	shalt  }
0x7c: {  	_ =	shalt  }
0x7d: {  	_ =	shalt  }
0x7e: {  	_ =	shalt  }
0x7f: {  	_ =	shalt  }
0x80: {  	_ =	shalt  }
0x81: {  	_ =	shalt  }
0x82: {  	_ =	shalt  }
0x83: {  	_ =	shalt  }
0x84: {  	_ =	shalt  }
0x85: {  	_ =	shalt  }
0x86: {  	_ =	shalt  }
0x87: {  	_ =	shalt  }
.Lfunc_end0:
.L_simem_size_0:
called_computation_lowered:
.L_overlay_start_0:
0x88: {  	s2 =	sld [smem:$0x3FD9]  }
0x89: {  	s3 =	sld [smem:$0x3FFE];
	_ =	sdelay $0x1  }
0x8a: {  	s1 =	srdreg.scid  }
0x8b: {  	s0 =	sand.u32 $0x1, s1  }
0x8c: {  	s16 =	sshll.u32 s0, $0xA;
	s2 =	sadd.s32 s3, s2  }
0x8d: {  	s2 =	sadd.s32 s2, s16  }
0x8e: {  	[smem:$0x3FBF] =	sst s2  }
0x8f: {  	_ = 	snop  }
0x90: {  	(tm) =	ssettm $0x1  }
0x91: {  	s17 =	sld [smem:$0x3FFB];
	_ =	sdelay $0x3  }
0x92: {  	_ =	strace s17  }
0x93: {  	s2 =	sld [smem:$0x3FFC];
	_ =	sdelay $0x3  }
0x94: {  	_ =	strace s2  }
0x95: {  	s2 =	sld [smem:$0x3FFD];
	_ =	sdelay $0x3  }
0x96: {  	_ =	strace s2  }
0x97: {  	_ =	strace $0x8FFFFFFF  }
0x98: {  	s18 =	sld [smem:$0x3FDB];
	_ =	sdelay $0x1  }
0x99: {  	s19 =	simm.s32 $_scs_section_size  }
0x9a: {  	s4 =	simm.s32 $_size__tile_overlayer_lowered;
	s5 =	simm.s32 $_tile_overlayer_lowered  }
0x9b: {  	s22 =	simm.s32 $0x1BFF;
	s21 =	sshll.u32 s5, $0x1;
	s2 =	sadd.s32 s19, s18  }
0x9c: {  	s6 =	simm.s32 $0x0;
	s20 =	sshll.u32 s4, $0x1;
	s4 =	sadd.s32 s21, s2  }
0x9d: {  	[timem:s6], [sflag:s22] =	dma.local [hbm:s4], s20  }
0x9e: {  	_ =	swait.ge [sflag:s22], s20  }
0x9f: {  	s3 =	ssub.s32 $0x0, s20;
	[sflag:s22] =	ssyncset.done $0x0  }
0xa0: {  	[sflag:s22] =	ssyncadd.s32 s3;
	_ =	sdelay $0x1  }
0xa1: {  	s23 =	simm.s32 $0x1B8B  }
0xa2: {  	_ =	swait.ge [sflag:s23], $0x1  }
0xa3: {  	[sflag:s23] =	ssyncset.done $0x0  }
0xa4: {  	s25 =	simm.s32 $0x1B8E;
	s24 =	sld [smem:$0x3FFE];
	[sflag:s23] =	ssyncadd.s32 $0xFFFFFFFF  }
0xa5: {  	s26 =	simm.s32 $execute0_lowered;
	[smem:$0x3FD2] =	sst s25  }
0xa6: {  	s4 =	sshll.u32 s26, $0x1;
	_ =	strace $0x80000046;
	[dreg:$0x1] =	wrdreg $0xFFFFFFFF  }
0xa7: {  	s28 =	simm.s32 $_size_execute0_lowered;
	s2 =	sadd.s32 s2, s4;
	[dreg:$0x0] =	wrdreg $0x0  }
0xa8: {  	s4 =	sshll.u32 s28, $0x1;
	[dreg:$0x2] =	wrdreg s2  }
0xa9: {  	[dreg:$0x3] =	wrdreg s4  }
0xaa: {  	[dreg:$0x4] =	wrdreg $0xC0  }
0xab: {  	_ =	task [dreg:s6], $0x5FFFF  }
0xac: {  	[dreg:$0x1] =	wrdreg $0xFFFFFFFF  }
0xad: {  	[dreg:$0x0] =	wrdreg $0x60  }
0xae: {  	[dreg:$0x2] =	wrdreg s24  }
0xaf: {  	[dreg:$0x3] =	wrdreg $0x9  }
0xb0: {  	_ =	task.clear_ibuf [dreg:s6], $0x4FFFF;
	_ =	strace $0x90000046  }
0xb1: {  	s29 =	simm.s32 $0x9;
	_ =	strace $0x80000048  }
0xb2: {  	_ =	swait.ge [sflag:s29], $0x1  }
0xb3: {  	[sflag:s29] =	ssyncadd.s32 $0xFFFFFFFF  }
0xb4: {  	_ =	strace $0x90000048  }
0xb5: {  	_ =	sfence  }
0xb6: {  	s30 =	sld [smem:$0x0];
	_ =	sdelay $0x2  }
0xb7: {  	s31 =	sshll.u32 s1, $0xD;
	s1 =	sshrl.u32 s1, $0x2  }
0xb8: {  	s3 =	sand.u32 $0x4000, s31;
	s1 =	sadd.s32 s1, s30  }
0xb9: {  	s0 =	sor.u32 s3, s0;
	s1 =	sshll.u32 s1, $0x11  }
0xba: {  	s0 =	sor.u32 s1, s0  }
0xbb: {  	s0 =	sadd.s32 $0x8F2B, s0  }
0xbc: {  	[sflag:s0] =	ssyncadd.remote.s32 $0x1  }
0xbd: {  	_ =	sfence.sel $0xFFFF  }
0xbe: {  	[dreg:$0x0] =	wrdreg $0xFFFFFFFF;
	(pc) =	sbr.abs _section_cstart, $3  }
0xbf: {  	[dreg:$0x1] =	wrdreg $0xFFFFFFFF  }
0xc0: {  	_ =	task.clear_ibuf [dreg:s6], $0x2FFFF;
	_ =	strace $0x9FFFFFFF  }
0xc1: {  	(tm) =	ssettm $0x7FFFFFFF  }
tec
execute0_lowered:
.L_overlay_start_1:
0x0: {  	(tag) =	ssettag $0x1  }
0x1: {  	s1 =	srdreg.scid;
	s0 =	stileid.u32  }
0x2: {  	s11 =	sand.u32 $0x1, s1;
	s31 =	sshll.u32 s0, $0x1  }
0x3: {  	s13 =	sor.u32 s11, s31  }
0x4: {  	s12 =	rddreg [dreg:$0x0];
	s2 =	simm.s32 $0x0;
	s3 =	sshll.u32 s13, $0x6  }
0x5: {  	[smem:$0x7FF] =	sst s2;
	s5 =	sadd.s32 s3, s12  }
0x6: {  	s1 =	rddreg [dreg:$0x1];
	_ =	strace $0x80000047;
	s4 =	sadd.s32 $0xC9200, s5  }
0x7: {  	[tilespmem:s2], [sflag:$0x1] =	stream.linear.gather [hbm4b:s4+s2], $0x20, $0x38;
	[tilespmem:$0x2100] =	vst v63  }
0x8: {  	s7 =	simm.s32 $0x20;
	s6 =	sadd.s32 $0xC9210, s5  }
0x9: {  	[tilespmem:s7], [sflag:$0x1] =	stream.linear.gather [hbm4b:s6+s2], $0x20, $0x38;
	[tilespmem:$0x2100] =	vst v63  }
0xa: {  	s3 =	simm.s32 $0x40;
	s8 =	sadd.s32 $0xC9220, s5  }
0xb: {  	[tilespmem:s3], [sflag:$0x1] =	stream.linear.gather [hbm4b:s8+s2], $0x20, $0x38;
	[tilespmem:$0x2100] =	vst v63  }
0xc: {  	s10 =	simm.s32 $0x60;
	s9 =	sadd.s32 $0xC9230, s5;
	s5 =	simm.s32 $0x1  }
0xd: {  	[tilespmem:s10], [sflag:$0x1] =	stream.linear.gather [hbm4b:s9+s2], $0x20, $0x38;
	[tilespmem:$0x2100] =	vst v63  }
0xe: {  	_ =	swait.ge [sflag:s5], $0x20  }
0xf: {  	[sflag:s5] =	ssyncset.done $0x0  }
0x10: {  	[sflag:s5] =	ssyncadd.s32 $0xFFFFFFE0  }
0x11: {  	_ =	swait.ge [sflag:s5], $0x20  }
0x12: {  	[sflag:s5] =	ssyncset.done $0x0  }
0x13: {  	[sflag:s5] =	ssyncadd.s32 $0xFFFFFFE0  }
0x14: {  	_ =	swait.ge [sflag:s5], $0x20  }
0x15: {  	[sflag:s5] =	ssyncset.done $0x0  }
0x16: {  	[sflag:s5] =	ssyncadd.s32 $0xFFFFFFE0  }
0x17: {  	_ =	swait.ge [sflag:s5], $0x20  }
0x18: {  	[sflag:s5] =	ssyncset.done $0x0  }
0x19: {  	[sflag:s5] =	ssyncadd.s32 $0xFFFFFFE0  }
0x1a: {  	v1 =	vld [tilespmem:$0x70]  }
0x1b: {  	v2 =	vld [tilespmem:$0x60]  }
0x1c: {  	v3 =	vld [tilespmem:$0x20]  }
0x1d: {  	v4 =	vld [tilespmem:$0x0]  }
0x1e: {  	v5 =	vld [tilespmem:$0x50]  }
0x1f: {  	v7 =	vld [tilespmem:$0x30]  }
0x20: {  	v0 =	vimm.s32 $0xFFFE7001;
	v6 =	vld [tilespmem:$0x10];
	vm0 =	vlt.s32 v1, $0xC800  }
0x21: {  	s11 =	ssub.s32 $0x2, s11;
	v10 =	vld [tilespmem:$0x40];
	v8 =	vshll.u32 v2, $0x1;
	vm1 =	vlt.s32 v2, $0xC800;
	v1 =	vshll.u32 v1, $0x1  }
0x22: {  	s14 =	sshrl.u32 s11, $0x1;
	vm2 =	vlt.s32 v3, $0xC800;
	v3 =	vshll.u32 v3, $0x1;
	v61 =	vshll.u32 v4, $0x1  }
0x23: {  	s14 =	ssub.s32 s11, s14;
	vm11 =	vlt.s32 v4, $0xC800;
	v4 =	vshll.u32 v5, $0x1;
	vm12 =	vlt.s32 v5, $0xC800  }
0x24: {  	s16 =	smax.u32 s14, $0x1;
	v63 =	vshll.u32 v7, $0x1;
	vm13 =	vlt.s32 v7, $0xC800;
	v9 =	vsel vm0, $0x0, v0  }
0x25: {  	p0 =	sne.s32 s16, $0x1;
	vm14 =	vlt.s32 v6, $0xC800;
	v2 =	vsel vm1, $0x0, v0;
	v60 =	vadd.s32 v1, v9  }
.Ltmp0:
0x26: {  	vm15 =	vlt.s32 v10, $0xC800;
	v11 =	vsel vm11, $0x0, v0;
	v2 =	vadd.s32 v8, v2;
	[tilespmem:$0xF0] =	vst v60;
	(pc) =	sbr.rel @!p0 .LBB2_2-.Ltmp0, $4  }
0x27: {  	v62 =	vsel vm2, $0x0, v0;
	v1 =	vshll.u32 v6, $0x1;
	v5 =	vadd.s32 v61, v11;
	[tilespmem:$0xE0] =	vst v2  }
0x28: {  	s15 =	simm.s32 $0x100;
	s13 =	sshll.u32 s13, $0xB;
	v6 =	vsel vm15, $0x0, v0;
	v2 =	vadd.s32 v3, v62;
	v3 =	vsel vm12, $0x0, v0;
	[tilespmem:$0x80] =	vst v5  }
0x29: {  	s11 =	sadd.s32 $0x1200, s12;
	s12 =	sadd.s32 s13, s12;
	s13 =	simm.s32 $0x80;
	v5 =	vadd.s32 v4, v3;
	[tilespmem:$0xA0] =	vst v2;
	v3 =	vsel vm13, $0x0, v0;
	v4 =	vshll.u32 v10, $0x1  }
0x2a: {  	s12 =	sadd.s32 $0xC9A00, s12;
	s14 =	simm.s32 $0x2;
	s16 =	sadd.s32 $0xFFFFFFFF, s16;
	v2 =	vsel vm14, $0x0, v0;
	v3 =	vadd.s32 v63, v3;
	v4 =	vadd.s32 v4, v6;
	[tilespmem:$0xD0] =	vst v5  }
.LBB2_1:
0x2b: {  	p0 =	sne.s32 s16, $0x1;
	s16 =	sadd.s32 $0xFFFFFFFF, s16;
	[tilespmem:$0xC0] =	vst v4  }
0x2c: {  	v1 =	vadd.s32 v1, v2;
	[tilespmem:$0xB0] =	vst v3  }
0x2d: {  	[tilespmem:$0x90] =	vst v1  }
0x2e: {  	[tilespmem:s15], [sflag:$0x1] =	stream.indirect.gather [hbm4b:s11+s13], $0x40, s13, s13, $0xb8;
	[tilespmem:$0x2100] =	vst v63  }
0x2f: {  	_ =	swait.ge [sflag:s5], $0x2000  }
0x30: {  	[sflag:s5] =	ssyncset.done $0x0  }
0x31: {  	[sflag:s5] =	ssyncadd.s32 $0xFFFFE000  }
0x32: {  	[hbm4b:s12+s3] =	stream.strided.scatter [tilespmem:s15], [sflag:$0x2], $0x2000, s13, s3, $0x38;
	[tilespmem:$0x2100] =	vst v63  }
0x33: {  	_ =	swait.ge [sflag:s14], $0x2000  }
0x34: {  	[sflag:s14] =	ssyncset.done $0x0  }
0x35: {  	[sflag:s14] =	ssyncadd.s32 $0xFFFFE000  }
0x36: {  	[tilespmem:s2], [sflag:$0x1] =	stream.linear.gather [hbm4b:s4+s2], $0x20, $0x38;
	[tilespmem:$0x2100] =	vst v63  }
0x37: {  	_ = 	snop  }
0x38: {  	[tilespmem:s7], [sflag:$0x1] =	stream.linear.gather [hbm4b:s6+s2], $0x20, $0x38;
	[tilespmem:$0x2100] =	vst v63  }
0x39: {  	_ = 	snop  }
0x3a: {  	[tilespmem:s3], [sflag:$0x1] =	stream.linear.gather [hbm4b:s8+s2], $0x20, $0x38;
	[tilespmem:$0x2100] =	vst v63  }
0x3b: {  	_ = 	snop  }
0x3c: {  	[tilespmem:s10], [sflag:$0x1] =	stream.linear.gather [hbm4b:s9+s2], $0x20, $0x38;
	[tilespmem:$0x2100] =	vst v63  }
0x3d: {  	_ =	swait.ge [sflag:s5], $0x20  }
0x3e: {  	[sflag:s5] =	ssyncset.done $0x0  }
0x3f: {  	[sflag:s5] =	ssyncadd.s32 $0xFFFFFFE0  }
0x40: {  	_ =	swait.ge [sflag:s5], $0x20  }
0x41: {  	[sflag:s5] =	ssyncset.done $0x0  }
0x42: {  	[sflag:s5] =	ssyncadd.s32 $0xFFFFFFE0  }
0x43: {  	_ =	swait.ge [sflag:s5], $0x20  }
0x44: {  	[sflag:s5] =	ssyncset.done $0x0  }
0x45: {  	[sflag:s5] =	ssyncadd.s32 $0xFFFFFFE0  }
0x46: {  	_ =	swait.ge [sflag:s5], $0x20  }
0x47: {  	[sflag:s5] =	ssyncset.done $0x0  }
0x48: {  	[sflag:s5] =	ssyncadd.s32 $0xFFFFFFE0  }
0x49: {  	v1 =	vld [tilespmem:$0x70]  }
0x4a: {  	v2 =	vld [tilespmem:$0x60]  }
0x4b: {  	v3 =	vld [tilespmem:$0x20]  }
0x4c: {  	v4 =	vld [tilespmem:$0x0]  }
0x4d: {  	v5 =	vld [tilespmem:$0x50]  }
0x4e: {  	v6 =	vld [tilespmem:$0x10];
	vm0 =	vlt.s32 v1, $0xC800  }
0x4f: {  	v1 =	vshll.u32 v1, $0x1;
	v7 =	vld [tilespmem:$0x30];
	v8 =	vshll.u32 v2, $0x1;
	vm1 =	vlt.s32 v2, $0xC800  }
0x50: {  	v10 =	vsel vm0, $0x0, v0;
	vm2 =	vlt.s32 v3, $0xC800;
	v2 =	vld [tilespmem:$0x40];
	v9 =	vsel vm1, $0x0, v0  }
0x51: {  	v3 =	vshll.u32 v3, $0x1;
	v1 =	vadd.s32 v1, v10;
	v8 =	vadd.s32 v8, v9  }
0x52: {  	v9 =	vshll.u32 v4, $0x1;
	vm0 =	vlt.s32 v4, $0xC800;
	v4 =	vshll.u32 v5, $0x1;
	[tilespmem:$0xF0] =	vst v1  }
0x53: {  	v10 =	vsel vm0, $0x0, v0;
	vm0 =	vlt.s32 v5, $0xC800;
	v1 =	vshll.u32 v6, $0x1;
	[tilespmem:$0xE0] =	vst v8  }
.Ltmp1:
0x54: {  	v5 =	vadd.s32 v9, v10;
	v8 =	vsel vm2, $0x0, v0;
	v9 =	vshll.u32 v7, $0x1;
	(pc) =	sbr.rel @p0 .LBB2_1-.Ltmp1, $4  }
0x55: {  	v3 =	vadd.s32 v3, v8;
	vm1 =	vlt.s32 v7, $0xC800;
	[tilespmem:$0x80] =	vst v5;
	v5 =	vsel vm0, $0x0, v0  }
0x56: {  	vm0 =	vlt.s32 v6, $0xC800;
	vm2 =	vlt.s32 v2, $0xC800;
	v5 =	vadd.s32 v4, v5  }
0x57: {  	v4 =	vshll.u32 v2, $0x1;
	v6 =	vsel vm2, $0x0, v0;
	[tilespmem:$0xA0] =	vst v3;
	v3 =	vsel vm1, $0x0, v0  }
0x58: {  	v2 =	vsel vm0, $0x0, v0;
	v4 =	vadd.s32 v4, v6;
	v3 =	vadd.s32 v9, v3;
	[tilespmem:$0xD0] =	vst v5  }
.LBB2_2:
0x59: {  	[tilespmem:$0xC0] =	vst v4  }
0x5a: {  	v0 =	vadd.s32 v1, v2;
	[tilespmem:$0xB0] =	vst v3  }
0x5b: {  	[tilespmem:$0x90] =	vst v0  }
0x5c: {  	[tilespmem:s15], [sflag:$0x1] =	stream.indirect.gather [hbm4b:s11+s13], $0x40, s13, s13, $0xb8;
	[tilespmem:$0x2100] =	vst v63  }
0x5d: {  	_ =	swait.ge [sflag:s5], $0x2000  }
0x5e: {  	[sflag:s5] =	ssyncset.done $0x0  }
0x5f: {  	[sflag:s5] =	ssyncadd.s32 $0xFFFFE000  }
0x60: {  	[hbm4b:s12+s3] =	stream.strided.scatter [tilespmem:s15], [sflag:$0x2], $0x2000, s13, s3, $0x38;
	[tilespmem:$0x2100] =	vst v63  }
0x61: {  	_ =	swait.ge [sflag:s14], $0x2000  }
0x62: {  	[sflag:s14] =	ssyncset.done $0x0  }
0x63: {  	[sflag:s14] =	ssyncadd.s32 $0xFFFFE000  }
0x64: {  	_ =	sfence.sel $0x180000  }
0x65: {  	[bflag:$0x0] =	sbarrier.arrive $0xFFFF  }
0x66: {  	p0 =	sne.s32 s0, $0x0;
	_ =	strace $0x90000047  }
0x67: {  	s0 =	sadd.s32 @!p0 $0x100000, s1;
	[bflag:$0x2] =	sbarrier.arrive $0xFFFF  }
0x68: {  	[sflag:s0] =	ssyncadd.tile.s32 @!p0 $0x1;
	_ =	shalt  }
.Lfunc_end2:
_tile_overlayer_lowered:
.L_overlay_start_2:
0x69: {  	(tag) =	ssettag $0x2  }
0x6a: {  	s0 =	rddreg [dreg:$0x0];
	s2 =	stileid.u32  }
0x6b: {  	s1 =	rddreg [dreg:$0x1];
	p0 =	sne.s32 s2, $0x0  }
0x6c: {  	s3 =	rddreg [dreg:$0x2];
	[bflag:$0x3] =	sbarrier.arrive $0xFFFF;
	s2 =	simm.s32 @!p0 $0x1C02  }
0x6d: {  	[timem:s3], [sflag:s2] =	dma.local @!p0 [hbm:s0], s1  }
0x6e: {  	s0 =	simm.s32 @!p0 $0x2  }
0x6f: {  	_ =	swait.ge @!p0 [sflag:s0], s1  }
0x70: {  	s1 =	ssub.s32 @!p0 $0x0, s1;
	[sflag:s0] =	ssyncset.done @!p0 $0x0  }
0x71: {  	[sflag:s0] =	ssyncadd.s32 @!p0 s1  }
0x72: {  	[bflag:$0x3] =	sbarrier.arrive $0xFFFF  }
0x73: {  	_ =	shalt  }

</sc_bundles>
